<compile_context>
chip_gen: v7x
topology: tpu7x:2x2x1
jax: 0.10.2.dev20260603
libtpu: 0.0.44.dev20260713+nightly
codegen_flags: <defaults>
</compile_context>

<pallas_src>
import functools

import jax
import jax.numpy as jnp
from jax import lax
from jax.experimental import pallas as pl
from jax.experimental.pallas import tpu as pltpu
from jax.experimental.pallas import tpu_sc as plsc

_F = 26
_V = 4000
_W = 4096
_D = 16
_B = 4096
_P = _F * (_F - 1) // 2

_NC = 2
_NS = 16
_NW = _NC * _NS

_DH = 8
_NT = _P * 2
_TPW = _NT // _NW
_XTRA = _NT - _TPW * _NW

_mesh = plsc.VectorSubcoreMesh(core_axis_name="c", subcore_axis_name="s")


@functools.partial(
    pl.kernel,
    mesh=_mesh,
    out_type=jax.ShapeDtypeStruct((_P, _D, _B), jnp.float32),
    compiler_params=pltpu.CompilerParams(
        use_tc_tiling_on_sc=True, needs_layout_passes=False),
    scratch_types=[
        pltpu.VMEM((_DH, _W), jnp.float32),
        pltpu.VMEM((_DH, _W), jnp.float32),
        pltpu.VMEM((_DH, _B), jnp.float32),
        pltpu.VMEM((2, 1, _B), jnp.int32),
        pltpu.VMEM((2, 1, _B), jnp.int32),
        pltpu.SemaphoreType.DMA,
        pltpu.SemaphoreType.DMA,
        pltpu.SemaphoreType.DMA,
        pltpu.SemaphoreType.DMA,
    ],
)
def _ffm_sc(wt_hbm, xc_hbm, out_hbm, sa_v, sb_v, out_v, xa_v, xb_v,
            lda, ldb, xld, st):
    wid = lax.axis_index("s") * _NC + lax.axis_index("c")
    start = wid * _TPW + jnp.minimum(wid, _XTRA)
    cnt = jnp.where(wid < _XTRA, _TPW + 1, _TPW)

    def unpack(t):
        p = t // 2
        h = t - p * 2

        def bi(_, c):
            i0, rem = c
            n = (_F - 1) - i0
            take = rem >= n
            return (jnp.where(take, i0 + 1, i0), jnp.where(take, rem - n, rem))

        i0, rem = lax.fori_loop(0, _F, bi, (jnp.int32(0), p))
        return (i0, i0 + 1 + rem, p, h)

    def adv(s):
        i, j, p, h = s
        h1 = h + 1
        hw = h1 == 2
        h1 = jnp.where(hw, 0, h1)
        p1 = jnp.where(hw, p + 1, p)
        j1 = jnp.where(hw, j + 1, j)
        jw = hw & (j1 == _F)
        i1 = jnp.where(jw, i + 1, i)
        j1 = jnp.where(jw, i1 + 1, j1)
        return (i1, j1, p1, h1)

    def col0(i):
        return pl.multiple_of((i * _V) & ~jnp.int32(127), 128)

    def slab_a_desc(s):
        i, j, _, h = s
        d0 = pl.multiple_of(h * _DH, 8)
        return pltpu.make_async_copy(
            wt_hbm.at[j, pl.ds(d0, _DH), pl.ds(col0(i), _W)], sa_v, lda)

    def slab_b_desc(s):
        i, j, _, h = s
        d0 = pl.multiple_of(h * _DH, 8)
        return pltpu.make_async_copy(
            wt_hbm.at[i, pl.ds(d0, _DH), pl.ds(col0(j), _W)], sb_v, ldb)

    def x_descs(s, tp):
        i, j, _, _ = s
        return (
            pltpu.make_async_copy(xc_hbm.at[i], xa_v.at[tp], xld),
            pltpu.make_async_copy(xc_hbm.at[j], xb_v.at[tp], xld),
        )

    def compute_a(s, tp):
        i, _, _, _ = s
        da = i * _V - col0(i)
        rows = [jnp.full((16,), d, jnp.int32) for d in range(_DH)]

        @plsc.parallel_loop(0, _B // 16, unroll=2)
        def block_body(b0):
            xa = xa_v[tp, 0, pl.ds(b0 * 16, 16)] + da
            for d in range(_DH):
                out_v[d, pl.ds(b0 * 16, 16)] = plsc.load_gather(
                    sa_v, [rows[d], xa])

    def compute_b(s, tp):
        _, j, _, _ = s
        db = j * _V - col0(j)
        rows = [jnp.full((16,), d, jnp.int32) for d in range(_DH)]

        @plsc.parallel_loop(0, _B // 16, unroll=2)
        def block_body(b0):
            xb = xb_v[tp, 0, pl.ds(b0 * 16, 16)] + db
            for d in range(_DH):
                blk = pl.ds(b0 * 16, 16)
                out_v[d, blk] = out_v[d, blk] * plsc.load_gather(
                    sb_v, [rows[d], xb])

    def store_desc(s):
        _, _, p, h = s
        return pltpu.make_async_copy(
            out_v, out_hbm.at[p, pl.ds(pl.multiple_of(h * _DH, 8), _DH)], st)

    s0 = unpack(start)
    slab_a_desc(s0).start()
    slab_b_desc(s0).start()
    for dsc in x_descs(s0, lax.rem(start, 2)):
        dsc.start()

    def step(m, s):
        t = start + m
        tp = lax.rem(t, 2)
        s_nxt = adv(s)

        slab_a_desc(s).wait()
        for dsc in x_descs(s, tp):
            dsc.wait()

        @pl.when(m > 0)
        def _():
            store_desc(s).wait()

        compute_a(s, tp)

        @pl.when(m + 1 < cnt)
        def _():
            slab_a_desc(s_nxt).start()
            for dsc in x_descs(s_nxt, lax.rem(t + 1, 2)):
                dsc.start()

        slab_b_desc(s).wait()
        compute_b(s, tp)
        store_desc(s).start()

        @pl.when(m + 1 < cnt)
        def _():
            slab_b_desc(s_nxt).start()

        return s_nxt

    lax.fori_loop(0, cnt, step, s0)
    pltpu.make_async_copy(out_v, out_hbm.at[0, pl.ds(0, _DH)], st).wait()


def kernel(x, W):
    wt = W.transpose(0, 2, 1)
    xc = x.T.reshape(_F, 1, _B)
    out_t = _ffm_sc(wt, xc)
    return out_t.transpose(2, 0, 1)

# --- scband reference (transcript-rebuilt; emitter-appended) ---
"""Pipeline reference for scband-field-aware-featurization-machine-83966610637445 (READ-ONLY COPY).

The authoritative reference and input builder live on the scoring server;
editing this copy changes nothing except your own understanding.
"""

import jax, jax.numpy as jnp
import numpy as np

FIELD_DIMS = [4000] * 26
FIELD_NUM = len(FIELD_DIMS)
TOTAL = sum(FIELD_DIMS)
OUT_DIM = 16
BATCH = 4096
OFFSETS = np.concatenate([[0], np.cumsum(FIELD_DIMS)[:-1]]).astype(np.int32)


def setup_inputs(seed: int = 0) -> dict:
    key = jax.random.key(seed)
    k1, k2 = jax.random.split(key)
    x = jax.random.randint(k1, (BATCH, FIELD_NUM), 0, 4000, dtype=jnp.int32)
    # 26 field-aware embedding tables, each [TOTAL, OUT_DIM], xavier-uniform-like init
    bound = float(np.sqrt(6.0 / (TOTAL + OUT_DIM)))
    W = jax.random.uniform(k2, (FIELD_NUM, TOTAL, OUT_DIM), minval=-bound, maxval=bound, dtype=jnp.float32)
    return {"x": x, "W": W}


def reference(x, W):
    offs = jnp.asarray(OFFSETS, dtype=x.dtype)
    xi = x + offs[None, :]                      # [B, F]
    # gather from each of the F tables: xs_all[f, b, field, d]
    xs_all = jax.vmap(lambda w: jnp.take(w, xi, axis=0))(W)   # [F, B, F, D]
    ii, jj = np.triu_indices(FIELD_NUM, k=1)    # pairs i<j, 325 of them
    ii = jnp.asarray(ii)
    jj = jnp.asarray(jj)
    a = xs_all[jj, :, ii, :]                    # xs[j][:, i] -> [P, B, D]
    b = xs_all[ii, :, jj, :]                    # xs[i][:, j] -> [P, B, D]
    ix = (a * b).transpose(1, 0, 2)             # [B, P, D]
    return ix

if __name__ == "__main__":
    import jax
    _d = setup_inputs()
    print(jax.jit(kernel)(*tuple(_d.values())))

</pallas_src>

<mosaic_0001>
#map = affine_map<(d0, d1) -> (0, 0, 0)>
module attributes {stable_mosaic.version = 14 : i64} {
  func.func @_ffm_sc(%arg0: i32, %arg1: i32, %arg2: memref<26x16x104000xf32, #tpu.memory_space<hbm>>, %arg3: memref<26x1x4096xi32, #tpu.memory_space<hbm>>, %arg4: memref<325x16x4096xf32, #tpu.memory_space<hbm>>, %arg5: memref<8x4096xf32, #tpu.memory_space<vmem>>, %arg6: memref<8x4096xf32, #tpu.memory_space<vmem>>, %arg7: memref<8x4096xf32, #tpu.memory_space<vmem>>, %arg8: memref<2x1x4096xi32, #tpu.memory_space<vmem>>, %arg9: memref<2x1x4096xi32, #tpu.memory_space<vmem>>, %arg10: memref<!tpu.dma_semaphore, #tpu.memory_space<semaphore_mem>>, %arg11: memref<!tpu.dma_semaphore, #tpu.memory_space<semaphore_mem>>, %arg12: memref<!tpu.dma_semaphore, #tpu.memory_space<semaphore_mem>>, %arg13: memref<!tpu.dma_semaphore, #tpu.memory_space<semaphore_mem>>) attributes {dimension_semantics = [#tpu.dimension_semantics<core_parallel>, #tpu.dimension_semantics<subcore_parallel>], iteration_bounds = array<i64: 2, 16>, scalar_prefetch = 0 : i64, scratch_operands = 9 : i64, tpu.core_type = #tpu.core_type<sc_vector_subcore>, window_params = [{transform_indices = #map}, {transform_indices = #map}, {transform_indices = #map}]} {
    %mul3A = arith.constant 2 : i32
    %mul3A_0 = arith.muli %arg1, %mul3A : i32
    %add3A = arith.addi %mul3A_0, %arg0 : i32
    %mul3A_1 = arith.constant 20 : i32
    %mul3A_2 = arith.muli %add3A, %mul3A_1 : i32
    %min3A = arith.constant 10 : i32
    %min3A_3 = arith.minsi %add3A, %min3A : i32
    %add3A_4 = arith.addi %mul3A_2, %min3A_3 : i32
    %lt3A = arith.constant 10 : i32
    %lt3A_5 = arith.cmpi slt, %add3A, %lt3A : i32
    %jit3A = arith.constant 21 : i32
    %jit3A_6 = arith.constant 20 : i32
    %select_n3A = arith.select %lt3A_5, %jit3A, %jit3A_6 : i32
    %jit3A_7 = arith.constant 2 : i32
    %div3A = arith.divsi %add3A_4, %jit3A_7 : i32
    %sign3A = arith.constant 0 : i32
    %sign3A_8 = arith.cmpi sgt, %add3A_4, %sign3A : i32
    %sign3A_9 = arith.extui %sign3A_8 : i1 to i32
    %sign3A_10 = arith.constant 0 : i32
    %sign3A_11 = arith.cmpi slt, %add3A_4, %sign3A_10 : i32
    %sign3A_12 = arith.extui %sign3A_11 : i1 to i32
    %sign3A_13 = arith.subi %sign3A_9, %sign3A_12 : i32
    %sign3A_14 = arith.constant 0 : i32
    %sign3A_15 = arith.cmpi sgt, %jit3A_7, %sign3A_14 : i32
    %sign3A_16 = arith.extui %sign3A_15 : i1 to i32
    %sign3A_17 = arith.constant 0 : i32
    %sign3A_18 = arith.cmpi slt, %jit3A_7, %sign3A_17 : i32
    %sign3A_19 = arith.extui %sign3A_18 : i1 to i32
    %sign3A_20 = arith.subi %sign3A_16, %sign3A_19 : i32
    %ne3A = arith.cmpi ne, %sign3A_13, %sign3A_20 : i32
    %rem3A = arith.remsi %add3A_4, %jit3A_7 : i32
    %ne3A_21 = arith.constant 0 : i32
    %ne3A_22 = arith.cmpi ne, %rem3A, %ne3A_21 : i32
    %and3A = arith.andi %ne3A, %ne3A_22 : i1
    %sub3A = arith.constant 1 : i32
    %sub3A_23 = arith.subi %div3A, %sub3A : i32
    %select_n3A_24 = arith.select %and3A, %sub3A_23, %div3A : i32
    %mul3A_25 = arith.constant 2 : i32
    %mul3A_26 = arith.muli %select_n3A_24, %mul3A_25 : i32
    %sub3A_27 = arith.subi %add3A_4, %mul3A_26 : i32
    %scan3A = arith.constant 0 : i32
    %scan3A_28 = arith.constant 0 : i32
    %scan3A_29 = arith.constant 26 : i32
    %scan3A_30 = arith.addi %scan3A_28, %scan3A_29 : i32
    %scan3A_31 = arith.constant 1 : i32
    %scan3A_32:2 = scf.for %scan3A_114 = %scan3A_28 to %scan3A_30 step %scan3A_31 iter_args(%scan3A_115 = %scan3A, %scan3A_116 = %select_n3A_24) -> (i32, i32)  : i32 {
      %sub3A_117 = arith.constant 25 : i32
      %sub3A_118 = arith.subi %sub3A_117, %scan3A_115 : i32
      %ge3A = arith.cmpi sge, %scan3A_116, %sub3A_118 : i32
      %add3A_119 = arith.constant 1 : i32
      %add3A_120 = arith.addi %scan3A_115, %add3A_119 : i32
      %select_n3A_121 = arith.select %ge3A, %add3A_120, %scan3A_115 : i32
      %sub3A_122 = arith.subi %scan3A_116, %sub3A_118 : i32
      %select_n3A_123 = arith.select %ge3A, %sub3A_122, %scan3A_116 : i32
      scf.yield %select_n3A_121, %select_n3A_123 : i32, i32
    }
    %scan3A_33 = arith.constant 26 : i32
    %add3A_34 = arith.constant 1 : i32
    %add3A_35 = arith.addi %scan3A_32#0, %add3A_34 : i32
    %add3A_36 = arith.addi %add3A_35, %scan3A_32#1 : i32
    %mul3A_37 = arith.constant 8 : i32
    %mul3A_38 = arith.muli %sub3A_27, %mul3A_37 : i32
    %multiple_of3A = tpu.assume_multiple %mul3A_38, 8 : i32
    %mul3A_39 = arith.constant 4000 : i32
    %mul3A_40 = arith.muli %scan3A_32#0, %mul3A_39 : i32
    %not3A = arith.constant 127 : i32
    %not3A_41 = arith.constant -1 : i32
    %not3A_42 = arith.xori %not3A, %not3A_41 : i32
    %and3A_43 = arith.andi %mul3A_40, %not3A_42 : i32
    %multiple_of3A_44 = tpu.assume_multiple %and3A_43, 128 : i32
    %dma_start3A = tpu.memref_slice %arg2[%add3A_36, %multiple_of3A, %multiple_of3A_44] : memref<26x16x104000xf32, #tpu.memory_space<hbm>> -> memref<1x8x4096xf32, #tpu.memory_space<hbm>>
    %dma_start3A_45 = tpu.memref_squeeze %dma_start3A : memref<1x8x4096xf32, #tpu.memory_space<hbm>> -> memref<8x4096xf32, #tpu.memory_space<hbm>>
    %dma_start3A_46 = tpu.memref_slice %arg2[%add3A_36, %multiple_of3A, %multiple_of3A_44] : memref<26x16x104000xf32, #tpu.memory_space<hbm>> -> memref<1x8x4096xf32, #tpu.memory_space<hbm>>
    %dma_start3A_47 = tpu.memref_squeeze %dma_start3A_46 : memref<1x8x4096xf32, #tpu.memory_space<hbm>> -> memref<8x4096xf32, #tpu.memory_space<hbm>>
    tpu.enqueue_dma source(%dma_start3A_47 : memref<8x4096xf32, #tpu.memory_space<hbm>>) target(%arg5 : memref<8x4096xf32, #tpu.memory_space<vmem>>) target_semaphore(%arg10 : memref<!tpu.dma_semaphore, #tpu.memory_space<semaphore_mem>>)
    %mul3A_48 = arith.constant 8 : i32
    %mul3A_49 = arith.muli %sub3A_27, %mul3A_48 : i32
    %multiple_of3A_50 = tpu.assume_multiple %mul3A_49, 8 : i32
    %mul3A_51 = arith.constant 4000 : i32
    %mul3A_52 = arith.muli %add3A_36, %mul3A_51 : i32
    %not3A_53 = arith.constant 127 : i32
    %not3A_54 = arith.constant -1 : i32
    %not3A_55 = arith.xori %not3A_53, %not3A_54 : i32
    %and3A_56 = arith.andi %mul3A_52, %not3A_55 : i32
    %multiple_of3A_57 = tpu.assume_multiple %and3A_56, 128 : i32
    %dma_start3A_58 = tpu.memref_slice %arg2[%scan3A_32#0, %multiple_of3A_50, %multiple_of3A_57] : memref<26x16x104000xf32, #tpu.memory_space<hbm>> -> memref<1x8x4096xf32, #tpu.memory_space<hbm>>
    %dma_start3A_59 = tpu.memref_squeeze %dma_start3A_58 : memref<1x8x4096xf32, #tpu.memory_space<hbm>> -> memref<8x4096xf32, #tpu.memory_space<hbm>>
    %dma_start3A_60 = tpu.memref_slice %arg2[%scan3A_32#0, %multiple_of3A_50, %multiple_of3A_57] : memref<26x16x104000xf32, #tpu.memory_space<hbm>> -> memref<1x8x4096xf32, #tpu.memory_space<hbm>>
    %dma_start3A_61 = tpu.memref_squeeze %dma_start3A_60 : memref<1x8x4096xf32, #tpu.memory_space<hbm>> -> memref<8x4096xf32, #tpu.memory_space<hbm>>
    tpu.enqueue_dma source(%dma_start3A_61 : memref<8x4096xf32, #tpu.memory_space<hbm>>) target(%arg6 : memref<8x4096xf32, #tpu.memory_space<vmem>>) target_semaphore(%arg11 : memref<!tpu.dma_semaphore, #tpu.memory_space<semaphore_mem>>)
    %rem3A_62 = arith.constant 2 : i32
    %rem3A_63 = arith.remsi %add3A_4, %rem3A_62 : i32
    %dma_start3A_64 = arith.constant 0 : i32
    %dma_start3A_65 = arith.constant 0 : i32
    %dma_start3A_66 = tpu.memref_slice %arg8[%rem3A_63, %dma_start3A_64, %dma_start3A_65] : memref<2x1x4096xi32, #tpu.memory_space<vmem>> -> memref<1x1x4096xi32, #tpu.memory_space<vmem>>
    %dma_start3A_67 = tpu.memref_squeeze %dma_start3A_66 : memref<1x1x4096xi32, #tpu.memory_space<vmem>> -> memref<1x4096xi32, #tpu.memory_space<vmem>>
    %dma_start3A_68 = arith.constant 0 : i32
    %dma_start3A_69 = arith.constant 0 : i32
    %dma_start3A_70 = tpu.memref_slice %arg3[%scan3A_32#0, %dma_start3A_68, %dma_start3A_69] : memref<26x1x4096xi32, #tpu.memory_space<hbm>> -> memref<1x1x4096xi32, #tpu.memory_space<hbm>>
    %dma_start3A_71 = tpu.memref_squeeze %dma_start3A_70 : memref<1x1x4096xi32, #tpu.memory_space<hbm>> -> memref<1x4096xi32, #tpu.memory_space<hbm>>
    %dma_start3A_72 = arith.constant 0 : i32
    %dma_start3A_73 = arith.constant 0 : i32
    %dma_start3A_74 = tpu.memref_slice %arg8[%rem3A_63, %dma_start3A_72, %dma_start3A_73] : memref<2x1x4096xi32, #tpu.memory_space<vmem>> -> memref<1x1x4096xi32, #tpu.memory_space<vmem>>
    %dma_start3A_75 = tpu.memref_squeeze %dma_start3A_74 : memref<1x1x4096xi32, #tpu.memory_space<vmem>> -> memref<1x4096xi32, #tpu.memory_space<vmem>>
    %dma_start3A_76 = arith.constant 0 : i32
    %dma_start3A_77 = arith.constant 0 : i32
    %dma_start3A_78 = tpu.memref_slice %arg3[%scan3A_32#0, %dma_start3A_76, %dma_start3A_77] : memref<26x1x4096xi32, #tpu.memory_space<hbm>> -> memref<1x1x4096xi32, #tpu.memory_space<hbm>>
    %dma_start3A_79 = tpu.memref_squeeze %dma_start3A_78 : memref<1x1x4096xi32, #tpu.memory_space<hbm>> -> memref<1x4096xi32, #tpu.memory_space<hbm>>
    tpu.enqueue_dma source(%dma_start3A_79 : memref<1x4096xi32, #tpu.memory_space<hbm>>) target(%dma_start3A_75 : memref<1x4096xi32, #tpu.memory_space<vmem>>) target_semaphore(%arg12 : memref<!tpu.dma_semaphore, #tpu.memory_space<semaphore_mem>>)
    %dma_start3A_80 = arith.constant 0 : i32
    %dma_start3A_81 = arith.constant 0 : i32
    %dma_start3A_82 = tpu.memref_slice %arg9[%rem3A_63, %dma_start3A_80, %dma_start3A_81] : memref<2x1x4096xi32, #tpu.memory_space<vmem>> -> memref<1x1x4096xi32, #tpu.memory_space<vmem>>
    %dma_start3A_83 = tpu.memref_squeeze %dma_start3A_82 : memref<1x1x4096xi32, #tpu.memory_space<vmem>> -> memref<1x4096xi32, #tpu.memory_space<vmem>>
    %dma_start3A_84 = arith.constant 0 : i32
    %dma_start3A_85 = arith.constant 0 : i32
    %dma_start3A_86 = tpu.memref_slice %arg3[%add3A_36, %dma_start3A_84, %dma_start3A_85] : memref<26x1x4096xi32, #tpu.memory_space<hbm>> -> memref<1x1x4096xi32, #tpu.memory_space<hbm>>
    %dma_start3A_87 = tpu.memref_squeeze %dma_start3A_86 : memref<1x1x4096xi32, #tpu.memory_space<hbm>> -> memref<1x4096xi32, #tpu.memory_space<hbm>>
    %dma_start3A_88 = arith.constant 0 : i32
    %dma_start3A_89 = arith.constant 0 : i32
    %dma_start3A_90 = tpu.memref_slice %arg9[%rem3A_63, %dma_start3A_88, %dma_start3A_89] : memref<2x1x4096xi32, #tpu.memory_space<vmem>> -> memref<1x1x4096xi32, #tpu.memory_space<vmem>>
    %dma_start3A_91 = tpu.memref_squeeze %dma_start3A_90 : memref<1x1x4096xi32, #tpu.memory_space<vmem>> -> memref<1x4096xi32, #tpu.memory_space<vmem>>
    %dma_start3A_92 = arith.constant 0 : i32
    %dma_start3A_93 = arith.constant 0 : i32
    %dma_start3A_94 = tpu.memref_slice %arg3[%add3A_36, %dma_start3A_92, %dma_start3A_93] : memref<26x1x4096xi32, #tpu.memory_space<hbm>> -> memref<1x1x4096xi32, #tpu.memory_space<hbm>>
    %dma_start3A_95 = tpu.memref_squeeze %dma_start3A_94 : memref<1x1x4096xi32, #tpu.memory_space<hbm>> -> memref<1x4096xi32, #tpu.memory_space<hbm>>
    tpu.enqueue_dma source(%dma_start3A_95 : memref<1x4096xi32, #tpu.memory_space<hbm>>) target(%dma_start3A_91 : memref<1x4096xi32, #tpu.memory_space<vmem>>) target_semaphore(%arg12 : memref<!tpu.dma_semaphore, #tpu.memory_space<semaphore_mem>>)
    %while3A = arith.constant 0 : i32
    %while3A_96 = arith.subi %select_n3A, %while3A : i32
    %while3A_97 = arith.addi %while3A, %while3A_96 : i32
    %while3A_98 = arith.constant 1 : i32
    %while3A_99 = arith.divsi %while3A_96, %while3A_98 : i32
    %while3A_100 = arith.muli %while3A_99, %while3A_98 : i32
    %while3A_101 = arith.addi %while3A, %while3A_100 : i32
    %while3A_102 = arith.constant 1 : i32
    %while3A_103:4 = scf.for %while3A_114 = %while3A to %while3A_101 step %while3A_102 iter_args(%while3A_115 = %scan3A_32#0, %while3A_116 = %add3A_36, %while3A_117 = %select_n3A_24, %while3A_118 = %sub3A_27) -> (i32, i32, i32, i32)  : i32 {
      %add3A_119 = arith.addi %add3A_4, %while3A_114 : i32
      %rem3A_120 = arith.constant 2 : i32
      %rem3A_121 = arith.remsi %add3A_119, %rem3A_120 : i32
      %add3A_122 = arith.constant 1 : i32
      %add3A_123 = arith.addi %while3A_118, %add3A_122 : i32
      %eq3A = arith.constant 2 : i32
      %eq3A_124 = arith.cmpi eq, %add3A_123, %eq3A : i32
      %jit3A_125 = arith.constant 0 : i32
      %select_n3A_126 = arith.select %eq3A_124, %jit3A_125, %add3A_123 : i32
      %add3A_127 = arith.constant 1 : i32
      %add3A_128 = arith.addi %while3A_117, %add3A_127 : i32
      %select_n3A_129 = arith.select %eq3A_124, %add3A_128, %while3A_117 : i32
      %add3A_130 = arith.constant 1 : i32
      %add3A_131 = arith.addi %while3A_116, %add3A_130 : i32
      %select_n3A_132 = arith.select %eq3A_124, %add3A_131, %while3A_116 : i32
      %eq3A_133 = arith.constant 26 : i32
      %eq3A_134 = arith.cmpi eq, %select_n3A_132, %eq3A_133 : i32
      %and3A_135 = arith.andi %eq3A_124, %eq3A_134 : i1
      %add3A_136 = arith.constant 1 : i32
      %add3A_137 = arith.addi %while3A_115, %add3A_136 : i32
      %select_n3A_138 = arith.select %and3A_135, %add3A_137, %while3A_115 : i32
      %add3A_139 = arith.constant 1 : i32
      %add3A_140 = arith.addi %select_n3A_138, %add3A_139 : i32
      %select_n3A_141 = arith.select %and3A_135, %add3A_140, %select_n3A_132 : i32
      %mul3A_142 = arith.constant 8 : i32
      %mul3A_143 = arith.muli %while3A_118, %mul3A_142 : i32
      %multiple_of3A_144 = tpu.assume_multiple %mul3A_143, 8 : i32
      %mul3A_145 = arith.constant 4000 : i32
      %mul3A_146 = arith.muli %while3A_115, %mul3A_145 : i32
      %not3A_147 = arith.constant 127 : i32
      %not3A_148 = arith.constant -1 : i32
      %not3A_149 = arith.xori %not3A_147, %not3A_148 : i32
      %and3A_150 = arith.andi %mul3A_146, %not3A_149 : i32
      %multiple_of3A_151 = tpu.assume_multiple %and3A_150, 128 : i32
      %dma_wait3A_152 = tpu.memref_slice %arg2[%while3A_116, %multiple_of3A_144, %multiple_of3A_151] : memref<26x16x104000xf32, #tpu.memory_space<hbm>> -> memref<1x8x4096xf32, #tpu.memory_space<hbm>>
      %dma_wait3A_153 = tpu.memref_squeeze %dma_wait3A_152 : memref<1x8x4096xf32, #tpu.memory_space<hbm>> -> memref<8x4096xf32, #tpu.memory_space<hbm>>
      %dma_wait3A_154 = tpu.memref_slice %arg2[%while3A_116, %multiple_of3A_144, %multiple_of3A_151] : memref<26x16x104000xf32, #tpu.memory_space<hbm>> -> memref<1x8x4096xf32, #tpu.memory_space<hbm>>
      %dma_wait3A_155 = tpu.memref_squeeze %dma_wait3A_154 : memref<1x8x4096xf32, #tpu.memory_space<hbm>> -> memref<8x4096xf32, #tpu.memory_space<hbm>>
      tpu.wait_dma2 semaphore(%arg10 : memref<!tpu.dma_semaphore, #tpu.memory_space<semaphore_mem>>) src(%dma_wait3A_155 : memref<8x4096xf32, #tpu.memory_space<hbm>>) dst(%arg5 : memref<8x4096xf32, #tpu.memory_space<vmem>>)
      %dma_wait3A_156 = arith.constant 0 : i32
      %dma_wait3A_157 = arith.constant 0 : i32
      %dma_wait3A_158 = tpu.memref_slice %arg8[%rem3A_121, %dma_wait3A_156, %dma_wait3A_157] : memref<2x1x4096xi32, #tpu.memory_space<vmem>> -> memref<1x1x4096xi32, #tpu.memory_space<vmem>>
      %dma_wait3A_159 = tpu.memref_squeeze %dma_wait3A_158 : memref<1x1x4096xi32, #tpu.memory_space<vmem>> -> memref<1x4096xi32, #tpu.memory_space<vmem>>
      %dma_wait3A_160 = arith.constant 0 : i32
      %dma_wait3A_161 = arith.constant 0 : i32
      %dma_wait3A_162 = tpu.memref_slice %arg3[%while3A_115, %dma_wait3A_160, %dma_wait3A_161] : memref<26x1x4096xi32, #tpu.memory_space<hbm>> -> memref<1x1x4096xi32, #tpu.memory_space<hbm>>
      %dma_wait3A_163 = tpu.memref_squeeze %dma_wait3A_162 : memref<1x1x4096xi32, #tpu.memory_space<hbm>> -> memref<1x4096xi32, #tpu.memory_space<hbm>>
      %dma_wait3A_164 = arith.constant 0 : i32
      %dma_wait3A_165 = arith.constant 0 : i32
      %dma_wait3A_166 = tpu.memref_slice %arg8[%rem3A_121, %dma_wait3A_164, %dma_wait3A_165] : memref<2x1x4096xi32, #tpu.memory_space<vmem>> -> memref<1x1x4096xi32, #tpu.memory_space<vmem>>
      %dma_wait3A_167 = tpu.memref_squeeze %dma_wait3A_166 : memref<1x1x4096xi32, #tpu.memory_space<vmem>> -> memref<1x4096xi32, #tpu.memory_space<vmem>>
      %dma_wait3A_168 = arith.constant 0 : i32
      %dma_wait3A_169 = arith.constant 0 : i32
      %dma_wait3A_170 = tpu.memref_slice %arg3[%while3A_115, %dma_wait3A_168, %dma_wait3A_169] : memref<26x1x4096xi32, #tpu.memory_space<hbm>> -> memref<1x1x4096xi32, #tpu.memory_space<hbm>>
      %dma_wait3A_171 = tpu.memref_squeeze %dma_wait3A_170 : memref<1x1x4096xi32, #tpu.memory_space<hbm>> -> memref<1x4096xi32, #tpu.memory_space<hbm>>
      tpu.wait_dma2 semaphore(%arg12 : memref<!tpu.dma_semaphore, #tpu.memory_space<semaphore_mem>>) src(%dma_wait3A_171 : memref<1x4096xi32, #tpu.memory_space<hbm>>) dst(%dma_wait3A_167 : memref<1x4096xi32, #tpu.memory_space<vmem>>)
      %dma_wait3A_172 = arith.constant 0 : i32
      %dma_wait3A_173 = arith.constant 0 : i32
      %dma_wait3A_174 = tpu.memref_slice %arg9[%rem3A_121, %dma_wait3A_172, %dma_wait3A_173] : memref<2x1x4096xi32, #tpu.memory_space<vmem>> -> memref<1x1x4096xi32, #tpu.memory_space<vmem>>
      %dma_wait3A_175 = tpu.memref_squeeze %dma_wait3A_174 : memref<1x1x4096xi32, #tpu.memory_space<vmem>> -> memref<1x4096xi32, #tpu.memory_space<vmem>>
      %dma_wait3A_176 = arith.constant 0 : i32
      %dma_wait3A_177 = arith.constant 0 : i32
      %dma_wait3A_178 = tpu.memref_slice %arg3[%while3A_116, %dma_wait3A_176, %dma_wait3A_177] : memref<26x1x4096xi32, #tpu.memory_space<hbm>> -> memref<1x1x4096xi32, #tpu.memory_space<hbm>>
      %dma_wait3A_179 = tpu.memref_squeeze %dma_wait3A_178 : memref<1x1x4096xi32, #tpu.memory_space<hbm>> -> memref<1x4096xi32, #tpu.memory_space<hbm>>
      %dma_wait3A_180 = arith.constant 0 : i32
      %dma_wait3A_181 = arith.constant 0 : i32
      %dma_wait3A_182 = tpu.memref_slice %arg9[%rem3A_121, %dma_wait3A_180, %dma_wait3A_181] : memref<2x1x4096xi32, #tpu.memory_space<vmem>> -> memref<1x1x4096xi32, #tpu.memory_space<vmem>>
      %dma_wait3A_183 = tpu.memref_squeeze %dma_wait3A_182 : memref<1x1x4096xi32, #tpu.memory_space<vmem>> -> memref<1x4096xi32, #tpu.memory_space<vmem>>
      %dma_wait3A_184 = arith.constant 0 : i32
      %dma_wait3A_185 = arith.constant 0 : i32
      %dma_wait3A_186 = tpu.memref_slice %arg3[%while3A_116, %dma_wait3A_184, %dma_wait3A_185] : memref<26x1x4096xi32, #tpu.memory_space<hbm>> -> memref<1x1x4096xi32, #tpu.memory_space<hbm>>
      %dma_wait3A_187 = tpu.memref_squeeze %dma_wait3A_186 : memref<1x1x4096xi32, #tpu.memory_space<hbm>> -> memref<1x4096xi32, #tpu.memory_space<hbm>>
      tpu.wait_dma2 semaphore(%arg12 : memref<!tpu.dma_semaphore, #tpu.memory_space<semaphore_mem>>) src(%dma_wait3A_187 : memref<1x4096xi32, #tpu.memory_space<hbm>>) dst(%dma_wait3A_183 : memref<1x4096xi32, #tpu.memory_space<vmem>>)
      %gt3A = arith.constant 0 : i32
      %gt3A_188 = arith.cmpi sgt, %while3A_114, %gt3A : i32
      %convert_element_type3A = arith.extui %gt3A_188 : i1 to i32
      %cond3A = arith.constant 0 : i32
      %cond3A_189 = arith.cmpi ne, %convert_element_type3A, %cond3A : i32
      scf.if %cond3A_189 {
        %mul3A_281 = arith.constant 8 : i32
        %mul3A_282 = arith.muli %while3A_118, %mul3A_281 : i32
        %multiple_of3A_283 = tpu.assume_multiple %mul3A_282, 8 : i32
        %dma_wait3A_284 = arith.constant 0 : i32
        %dma_wait3A_285 = tpu.memref_slice %arg4[%while3A_117, %multiple_of3A_283, %dma_wait3A_284] : memref<325x16x4096xf32, #tpu.memory_space<hbm>> -> memref<1x8x4096xf32, #tpu.memory_space<hbm>>
        %dma_wait3A_286 = tpu.memref_squeeze %dma_wait3A_285 : memref<1x8x4096xf32, #tpu.memory_space<hbm>> -> memref<8x4096xf32, #tpu.memory_space<hbm>>
        %dma_wait3A_287 = arith.constant 0 : i32
        %dma_wait3A_288 = tpu.memref_slice %arg4[%while3A_117, %multiple_of3A_283, %dma_wait3A_287] : memref<325x16x4096xf32, #tpu.memory_space<hbm>> -> memref<1x8x4096xf32, #tpu.memory_space<hbm>>
        %dma_wait3A_289 = tpu.memref_squeeze %dma_wait3A_288 : memref<1x8x4096xf32, #tpu.memory_space<hbm>> -> memref<8x4096xf32, #tpu.memory_space<hbm>>
        tpu.wait_dma2 semaphore(%arg13 : memref<!tpu.dma_semaphore, #tpu.memory_space<semaphore_mem>>) src(%arg7 : memref<8x4096xf32, #tpu.memory_space<vmem>>) dst(%dma_wait3A_289 : memref<8x4096xf32, #tpu.memory_space<hbm>>)
      } else {
      }
      %mul3A_190 = arith.constant 4000 : i32
      %mul3A_191 = arith.muli %while3A_115, %mul3A_190 : i32
      %mul3A_192 = arith.constant 4000 : i32
      %mul3A_193 = arith.muli %while3A_115, %mul3A_192 : i32
      %not3A_194 = arith.constant 127 : i32
      %not3A_195 = arith.constant -1 : i32
      %not3A_196 = arith.xori %not3A_194, %not3A_195 : i32
      %and3A_197 = arith.andi %mul3A_193, %not3A_196 : i32
      %multiple_of3A_198 = tpu.assume_multiple %and3A_197, 128 : i32
      %sub3A_199 = arith.subi %mul3A_191, %multiple_of3A_198 : i32
      %broadcast_in_dim3A = arith.constant 0 : i32
      %broadcast_in_dim3A_200 = vector.broadcast %broadcast_in_dim3A : i32 to vector<16xi32>
      %broadcast_in_dim3A_201 = arith.constant 1 : i32
      %broadcast_in_dim3A_202 = vector.broadcast %broadcast_in_dim3A_201 : i32 to vector<16xi32>
      %broadcast_in_dim3A_203 = arith.constant 2 : i32
      %broadcast_in_dim3A_204 = vector.broadcast %broadcast_in_dim3A_203 : i32 to vector<16xi32>
      %broadcast_in_dim3A_205 = arith.constant 3 : i32
      %broadcast_in_dim3A_206 = vector.broadcast %broadcast_in_dim3A_205 : i32 to vector<16xi32>
      %broadcast_in_dim3A_207 = arith.constant 4 : i32
      %broadcast_in_dim3A_208 = vector.broadcast %broadcast_in_dim3A_207 : i32 to vector<16xi32>
      %broadcast_in_dim3A_209 = arith.constant 5 : i32
      %broadcast_in_dim3A_210 = vector.broadcast %broadcast_in_dim3A_209 : i32 to vector<16xi32>
      %broadcast_in_dim3A_211 = arith.constant 6 : i32
      %broadcast_in_dim3A_212 = vector.broadcast %broadcast_in_dim3A_211 : i32 to vector<16xi32>
      %broadcast_in_dim3A_213 = arith.constant 7 : i32
      %broadcast_in_dim3A_214 = vector.broadcast %broadcast_in_dim3A_213 : i32 to vector<16xi32>
      %parallel_loop3A = arith.constant 0 : i32
      %parallel_loop3A_215 = arith.constant 256 : i32
      %parallel_loop3A_216 = arith.constant 1 : i32
      scf.for %parallel_loop3A_281 = %parallel_loop3A to %parallel_loop3A_215 step %parallel_loop3A_216  : i32 {
        %parallel_loop3A_282 = arith.constant 16 : i32
        %parallel_loop3A_283 = arith.muli %parallel_loop3A_281, %parallel_loop3A_282 : i32
        %parallel_loop3A_284 = arith.constant 0 : i32
        %parallel_loop3A_285 = arith.index_cast %rem3A_121 : i32 to index
        %parallel_loop3A_286 = arith.index_cast %parallel_loop3A_284 : i32 to index
        %parallel_loop3A_287 = arith.index_cast %parallel_loop3A_283 : i32 to index
        %parallel_loop3A_288 = tpu.vector_load %arg8[%parallel_loop3A_285, %parallel_loop3A_286, %parallel_loop3A_287] {strides = array<i32>} : memref<2x1x4096xi32, #tpu.memory_space<vmem>>, vector<16xi32>,
        %parallel_loop3A_289 = vector.broadcast %sub3A_199 : i32 to vector<16xi32>
        %parallel_loop3A_290 = arith.addi %parallel_loop3A_288, %parallel_loop3A_289 : vector<16xi32>
        %parallel_loop3A_291 = tpu.vector_load_idx %arg5[%broadcast_in_dim3A_200, %parallel_loop3A_290] : memref<8x4096xf32, #tpu.memory_space<vmem>>[vector<16xi32>, vector<16xi32>], vector<16xf32>,
        %parallel_loop3A_292 = arith.constant 16 : i32
        %parallel_loop3A_293 = arith.muli %parallel_loop3A_281, %parallel_loop3A_292 : i32
        %parallel_loop3A_294 = arith.constant 0 : i32
        %parallel_loop3A_295 = arith.index_cast %parallel_loop3A_294 : i32 to index
        %parallel_loop3A_296 = arith.index_cast %parallel_loop3A_293 : i32 to index
        %parallel_loop3A_297 = tpu.vector_load %arg7[%parallel_loop3A_295, %parallel_loop3A_296] {strides = array<i32>} : memref<8x4096xf32, #tpu.memory_space<vmem>>, vector<16xf32>,
        tpu.vector_store %arg7[%parallel_loop3A_295, %parallel_loop3A_296], %parallel_loop3A_291 {strides = array<i32>} : memref<8x4096xf32, #tpu.memory_space<vmem>>, vector<16xf32>,
        %parallel_loop3A_298 = tpu.vector_load_idx %arg5[%broadcast_in_dim3A_202, %parallel_loop3A_290] : memref<8x4096xf32, #tpu.memory_space<vmem>>[vector<16xi32>, vector<16xi32>], vector<16xf32>,
        %parallel_loop3A_299 = arith.constant 16 : i32
        %parallel_loop3A_300 = arith.muli %parallel_loop3A_281, %parallel_loop3A_299 : i32
        %parallel_loop3A_301 = arith.constant 1 : i32
        %parallel_loop3A_302 = arith.index_cast %parallel_loop3A_301 : i32 to index
        %parallel_loop3A_303 = arith.index_cast %parallel_loop3A_300 : i32 to index
        %parallel_loop3A_304 = tpu.vector_load %arg7[%parallel_loop3A_302, %parallel_loop3A_303] {strides = array<i32>} : memref<8x4096xf32, #tpu.memory_space<vmem>>, vector<16xf32>,
        tpu.vector_store %arg7[%parallel_loop3A_302, %parallel_loop3A_303], %parallel_loop3A_298 {strides = array<i32>} : memref<8x4096xf32, #tpu.memory_space<vmem>>, vector<16xf32>,
        %parallel_loop3A_305 = tpu.vector_load_idx %arg5[%broadcast_in_dim3A_204, %parallel_loop3A_290] : memref<8x4096xf32, #tpu.memory_space<vmem>>[vector<16xi32>, vector<16xi32>], vector<16xf32>,
        %parallel_loop3A_306 = arith.constant 16 : i32
        %parallel_loop3A_307 = arith.muli %parallel_loop3A_281, %parallel_loop3A_306 : i32
        %parallel_loop3A_308 = arith.constant 2 : i32
        %parallel_loop3A_309 = arith.index_cast %parallel_loop3A_308 : i32 to index
        %parallel_loop3A_310 = arith.index_cast %parallel_loop3A_307 : i32 to index
        %parallel_loop3A_311 = tpu.vector_load %arg7[%parallel_loop3A_309, %parallel_loop3A_310] {strides = array<i32>} : memref<8x4096xf32, #tpu.memory_space<vmem>>, vector<16xf32>,
        tpu.vector_store %arg7[%parallel_loop3A_309, %parallel_loop3A_310], %parallel_loop3A_305 {strides = array<i32>} : memref<8x4096xf32, #tpu.memory_space<vmem>>, vector<16xf32>,
        %parallel_loop3A_312 = tpu.vector_load_idx %arg5[%broadcast_in_dim3A_206, %parallel_loop3A_290] : memref<8x4096xf32, #tpu.memory_space<vmem>>[vector<16xi32>, vector<16xi32>], vector<16xf32>,
        %parallel_loop3A_313 = arith.constant 16 : i32
        %parallel_loop3A_314 = arith.muli %parallel_loop3A_281, %parallel_loop3A_313 : i32
        %parallel_loop3A_315 = arith.constant 3 : i32
        %parallel_loop3A_316 = arith.index_cast %parallel_loop3A_315 : i32 to index
        %parallel_loop3A_317 = arith.index_cast %parallel_loop3A_314 : i32 to index
        %parallel_loop3A_318 = tpu.vector_load %arg7[%parallel_loop3A_316, %parallel_loop3A_317] {strides = array<i32>} : memref<8x4096xf32, #tpu.memory_space<vmem>>, vector<16xf32>,
        tpu.vector_store %arg7[%parallel_loop3A_316, %parallel_loop3A_317], %parallel_loop3A_312 {strides = array<i32>} : memref<8x4096xf32, #tpu.memory_space<vmem>>, vector<16xf32>,
        %parallel_loop3A_319 = tpu.vector_load_idx %arg5[%broadcast_in_dim3A_208, %parallel_loop3A_290] : memref<8x4096xf32, #tpu.memory_space<vmem>>[vector<16xi32>, vector<16xi32>], vector<16xf32>,
        %parallel_loop3A_320 = arith.constant 16 : i32
        %parallel_loop3A_321 = arith.muli %parallel_loop3A_281, %parallel_loop3A_320 : i32
        %parallel_loop3A_322 = arith.constant 4 : i32
        %parallel_loop3A_323 = arith.index_cast %parallel_loop3A_322 : i32 to index
        %parallel_loop3A_324 = arith.index_cast %parallel_loop3A_321 : i32 to index
        %parallel_loop3A_325 = tpu.vector_load %arg7[%parallel_loop3A_323, %parallel_loop3A_324] {strides = array<i32>} : memref<8x4096xf32, #tpu.memory_space<vmem>>, vector<16xf32>,
        tpu.vector_store %arg7[%parallel_loop3A_323, %parallel_loop3A_324], %parallel_loop3A_319 {strides = array<i32>} : memref<8x4096xf32, #tpu.memory_space<vmem>>, vector<16xf32>,
        %parallel_loop3A_326 = tpu.vector_load_idx %arg5[%broadcast_in_dim3A_210, %parallel_loop3A_290] : memref<8x4096xf32, #tpu.memory_space<vmem>>[vector<16xi32>, vector<16xi32>], vector<16xf32>,
        %parallel_loop3A_327 = arith.constant 16 : i32
        %parallel_loop3A_328 = arith.muli %parallel_loop3A_281, %parallel_loop3A_327 : i32
        %parallel_loop3A_329 = arith.constant 5 : i32
        %parallel_loop3A_330 = arith.index_cast %parallel_loop3A_329 : i32 to index
        %parallel_loop3A_331 = arith.index_cast %parallel_loop3A_328 : i32 to index
        %parallel_loop3A_332 = tpu.vector_load %arg7[%parallel_loop3A_330, %parallel_loop3A_331] {strides = array<i32>} : memref<8x4096xf32, #tpu.memory_space<vmem>>, vector<16xf32>,
        tpu.vector_store %arg7[%parallel_loop3A_330, %parallel_loop3A_331], %parallel_loop3A_326 {strides = array<i32>} : memref<8x4096xf32, #tpu.memory_space<vmem>>, vector<16xf32>,
        %parallel_loop3A_333 = tpu.vector_load_idx %arg5[%broadcast_in_dim3A_212, %parallel_loop3A_290] : memref<8x4096xf32, #tpu.memory_space<vmem>>[vector<16xi32>, vector<16xi32>], vector<16xf32>,
        %parallel_loop3A_334 = arith.constant 16 : i32
        %parallel_loop3A_335 = arith.muli %parallel_loop3A_281, %parallel_loop3A_334 : i32
        %parallel_loop3A_336 = arith.constant 6 : i32
        %parallel_loop3A_337 = arith.index_cast %parallel_loop3A_336 : i32 to index
        %parallel_loop3A_338 = arith.index_cast %parallel_loop3A_335 : i32 to index
        %parallel_loop3A_339 = tpu.vector_load %arg7[%parallel_loop3A_337, %parallel_loop3A_338] {strides = array<i32>} : memref<8x4096xf32, #tpu.memory_space<vmem>>, vector<16xf32>,
        tpu.vector_store %arg7[%parallel_loop3A_337, %parallel_loop3A_338], %parallel_loop3A_333 {strides = array<i32>} : memref<8x4096xf32, #tpu.memory_space<vmem>>, vector<16xf32>,
        %parallel_loop3A_340 = tpu.vector_load_idx %arg5[%broadcast_in_dim3A_214, %parallel_loop3A_290] : memref<8x4096xf32, #tpu.memory_space<vmem>>[vector<16xi32>, vector<16xi32>], vector<16xf32>,
        %parallel_loop3A_341 = arith.constant 16 : i32
        %parallel_loop3A_342 = arith.muli %parallel_loop3A_281, %parallel_loop3A_341 : i32
        %parallel_loop3A_343 = arith.constant 7 : i32
        %parallel_loop3A_344 = arith.index_cast %parallel_loop3A_343 : i32 to index
        %parallel_loop3A_345 = arith.index_cast %parallel_loop3A_342 : i32 to index
        %parallel_loop3A_346 = tpu.vector_load %arg7[%parallel_loop3A_344, %parallel_loop3A_345] {strides = array<i32>} : memref<8x4096xf32, #tpu.memory_space<vmem>>, vector<16xf32>,
        tpu.vector_store %arg7[%parallel_loop3A_344, %parallel_loop3A_345], %parallel_loop3A_340 {strides = array<i32>} : memref<8x4096xf32, #tpu.memory_space<vmem>>, vector<16xf32>,
      } {sc.loop_unroll_factor = 2 : i64, sc.parallel_access}
      %add3A_217 = arith.constant 1 : i32
      %add3A_218 = arith.addi %while3A_114, %add3A_217 : i32
      %lt3A_219 = arith.cmpi slt, %add3A_218, %select_n3A : i32
      %convert_element_type3A_220 = arith.extui %lt3A_219 : i1 to i32
      %cond3A_221 = arith.constant 0 : i32
      %cond3A_222 = arith.cmpi ne, %convert_element_type3A_220, %cond3A_221 : i32
      scf.if %cond3A_222 {
        %mul3A_281 = arith.constant 8 : i32
        %mul3A_282 = arith.muli %select_n3A_126, %mul3A_281 : i32
        %multiple_of3A_283 = tpu.assume_multiple %mul3A_282, 8 : i32
        %mul3A_284 = arith.constant 4000 : i32
        %mul3A_285 = arith.muli %select_n3A_138, %mul3A_284 : i32
        %not3A_286 = arith.constant 127 : i32
        %not3A_287 = arith.constant -1 : i32
        %not3A_288 = arith.xori %not3A_286, %not3A_287 : i32
        %and3A_289 = arith.andi %mul3A_285, %not3A_288 : i32
        %multiple_of3A_290 = tpu.assume_multiple %and3A_289, 128 : i32
        %dma_start3A_291 = tpu.memref_slice %arg2[%select_n3A_141, %multiple_of3A_283, %multiple_of3A_290] : memref<26x16x104000xf32, #tpu.memory_space<hbm>> -> memref<1x8x4096xf32, #tpu.memory_space<hbm>>
        %dma_start3A_292 = tpu.memref_squeeze %dma_start3A_291 : memref<1x8x4096xf32, #tpu.memory_space<hbm>> -> memref<8x4096xf32, #tpu.memory_space<hbm>>
        %dma_start3A_293 = tpu.memref_slice %arg2[%select_n3A_141, %multiple_of3A_283, %multiple_of3A_290] : memref<26x16x104000xf32, #tpu.memory_space<hbm>> -> memref<1x8x4096xf32, #tpu.memory_space<hbm>>
        %dma_start3A_294 = tpu.memref_squeeze %dma_start3A_293 : memref<1x8x4096xf32, #tpu.memory_space<hbm>> -> memref<8x4096xf32, #tpu.memory_space<hbm>>
        tpu.enqueue_dma source(%dma_start3A_294 : memref<8x4096xf32, #tpu.memory_space<hbm>>) target(%arg5 : memref<8x4096xf32, #tpu.memory_space<vmem>>) target_semaphore(%arg10 : memref<!tpu.dma_semaphore, #tpu.memory_space<semaphore_mem>>)
        %add3A_295 = arith.constant 1 : i32
        %add3A_296 = arith.addi %add3A_119, %add3A_295 : i32
        %rem3A_297 = arith.constant 2 : i32
        %rem3A_298 = arith.remsi %add3A_296, %rem3A_297 : i32
        %dma_start3A_299 = arith.constant 0 : i32
        %dma_start3A_300 = arith.constant 0 : i32
        %dma_start3A_301 = tpu.memref_slice %arg8[%rem3A_298, %dma_start3A_299, %dma_start3A_300] : memref<2x1x4096xi32, #tpu.memory_space<vmem>> -> memref<1x1x4096xi32, #tpu.memory_space<vmem>>
        %dma_start3A_302 = tpu.memref_squeeze %dma_start3A_301 : memref<1x1x4096xi32, #tpu.memory_space<vmem>> -> memref<1x4096xi32, #tpu.memory_space<vmem>>
        %dma_start3A_303 = arith.constant 0 : i32
        %dma_start3A_304 = arith.constant 0 : i32
        %dma_start3A_305 = tpu.memref_slice %arg3[%select_n3A_138, %dma_start3A_303, %dma_start3A_304] : memref<26x1x4096xi32, #tpu.memory_space<hbm>> -> memref<1x1x4096xi32, #tpu.memory_space<hbm>>
        %dma_start3A_306 = tpu.memref_squeeze %dma_start3A_305 : memref<1x1x4096xi32, #tpu.memory_space<hbm>> -> memref<1x4096xi32, #tpu.memory_space<hbm>>
        %dma_start3A_307 = arith.constant 0 : i32
        %dma_start3A_308 = arith.constant 0 : i32
        %dma_start3A_309 = tpu.memref_slice %arg8[%rem3A_298, %dma_start3A_307, %dma_start3A_308] : memref<2x1x4096xi32, #tpu.memory_space<vmem>> -> memref<1x1x4096xi32, #tpu.memory_space<vmem>>
        %dma_start3A_310 = tpu.memref_squeeze %dma_start3A_309 : memref<1x1x4096xi32, #tpu.memory_space<vmem>> -> memref<1x4096xi32, #tpu.memory_space<vmem>>
        %dma_start3A_311 = arith.constant 0 : i32
        %dma_start3A_312 = arith.constant 0 : i32
        %dma_start3A_313 = tpu.memref_slice %arg3[%select_n3A_138, %dma_start3A_311, %dma_start3A_312] : memref<26x1x4096xi32, #tpu.memory_space<hbm>> -> memref<1x1x4096xi32, #tpu.memory_space<hbm>>
        %dma_start3A_314 = tpu.memref_squeeze %dma_start3A_313 : memref<1x1x4096xi32, #tpu.memory_space<hbm>> -> memref<1x4096xi32, #tpu.memory_space<hbm>>
        tpu.enqueue_dma source(%dma_start3A_314 : memref<1x4096xi32, #tpu.memory_space<hbm>>) target(%dma_start3A_310 : memref<1x4096xi32, #tpu.memory_space<vmem>>) target_semaphore(%arg12 : memref<!tpu.dma_semaphore, #tpu.memory_space<semaphore_mem>>)
        %dma_start3A_315 = arith.constant 0 : i32
        %dma_start3A_316 = arith.constant 0 : i32
        %dma_start3A_317 = tpu.memref_slice %arg9[%rem3A_298, %dma_start3A_315, %dma_start3A_316] : memref<2x1x4096xi32, #tpu.memory_space<vmem>> -> memref<1x1x4096xi32, #tpu.memory_space<vmem>>
        %dma_start3A_318 = tpu.memref_squeeze %dma_start3A_317 : memref<1x1x4096xi32, #tpu.memory_space<vmem>> -> memref<1x4096xi32, #tpu.memory_space<vmem>>
        %dma_start3A_319 = arith.constant 0 : i32
        %dma_start3A_320 = arith.constant 0 : i32
        %dma_start3A_321 = tpu.memref_slice %arg3[%select_n3A_141, %dma_start3A_319, %dma_start3A_320] : memref<26x1x4096xi32, #tpu.memory_space<hbm>> -> memref<1x1x4096xi32, #tpu.memory_space<hbm>>
        %dma_start3A_322 = tpu.memref_squeeze %dma_start3A_321 : memref<1x1x4096xi32, #tpu.memory_space<hbm>> -> memref<1x4096xi32, #tpu.memory_space<hbm>>
        %dma_start3A_323 = arith.constant 0 : i32
        %dma_start3A_324 = arith.constant 0 : i32
        %dma_start3A_325 = tpu.memref_slice %arg9[%rem3A_298, %dma_start3A_323, %dma_start3A_324] : memref<2x1x4096xi32, #tpu.memory_space<vmem>> -> memref<1x1x4096xi32, #tpu.memory_space<vmem>>
        %dma_start3A_326 = tpu.memref_squeeze %dma_start3A_325 : memref<1x1x4096xi32, #tpu.memory_space<vmem>> -> memref<1x4096xi32, #tpu.memory_space<vmem>>
        %dma_start3A_327 = arith.constant 0 : i32
        %dma_start3A_328 = arith.constant 0 : i32
        %dma_start3A_329 = tpu.memref_slice %arg3[%select_n3A_141, %dma_start3A_327, %dma_start3A_328] : memref<26x1x4096xi32, #tpu.memory_space<hbm>> -> memref<1x1x4096xi32, #tpu.memory_space<hbm>>
        %dma_start3A_330 = tpu.memref_squeeze %dma_start3A_329 : memref<1x1x4096xi32, #tpu.memory_space<hbm>> -> memref<1x4096xi32, #tpu.memory_space<hbm>>
        tpu.enqueue_dma source(%dma_start3A_330 : memref<1x4096xi32, #tpu.memory_space<hbm>>) target(%dma_start3A_326 : memref<1x4096xi32, #tpu.memory_space<vmem>>) target_semaphore(%arg12 : memref<!tpu.dma_semaphore, #tpu.memory_space<semaphore_mem>>)
      } else {
      }
      %mul3A_223 = arith.constant 8 : i32
      %mul3A_224 = arith.muli %while3A_118, %mul3A_223 : i32
      %multiple_of3A_225 = tpu.assume_multiple %mul3A_224, 8 : i32
      %mul3A_226 = arith.constant 4000 : i32
      %mul3A_227 = arith.muli %while3A_116, %mul3A_226 : i32
      %not3A_228 = arith.constant 127 : i32
      %not3A_229 = arith.constant -1 : i32
      %not3A_230 = arith.xori %not3A_228, %not3A_229 : i32
      %and3A_231 = arith.andi %mul3A_227, %not3A_230 : i32
      %multiple_of3A_232 = tpu.assume_multiple %and3A_231, 128 : i32
      %dma_wait3A_233 = tpu.memref_slice %arg2[%while3A_115, %multiple_of3A_225, %multiple_of3A_232] : memref<26x16x104000xf32, #tpu.memory_space<hbm>> -> memref<1x8x4096xf32, #tpu.memory_space<hbm>>
      %dma_wait3A_234 = tpu.memref_squeeze %dma_wait3A_233 : memref<1x8x4096xf32, #tpu.memory_space<hbm>> -> memref<8x4096xf32, #tpu.memory_space<hbm>>
      %dma_wait3A_235 = tpu.memref_slice %arg2[%while3A_115, %multiple_of3A_225, %multiple_of3A_232] : memref<26x16x104000xf32, #tpu.memory_space<hbm>> -> memref<1x8x4096xf32, #tpu.memory_space<hbm>>
      %dma_wait3A_236 = tpu.memref_squeeze %dma_wait3A_235 : memref<1x8x4096xf32, #tpu.memory_space<hbm>> -> memref<8x4096xf32, #tpu.memory_space<hbm>>
      tpu.wait_dma2 semaphore(%arg11 : memref<!tpu.dma_semaphore, #tpu.memory_space<semaphore_mem>>) src(%dma_wait3A_236 : memref<8x4096xf32, #tpu.memory_space<hbm>>) dst(%arg6 : memref<8x4096xf32, #tpu.memory_space<vmem>>)
      %mul3A_237 = arith.constant 4000 : i32
      %mul3A_238 = arith.muli %while3A_116, %mul3A_237 : i32
      %mul3A_239 = arith.constant 4000 : i32
      %mul3A_240 = arith.muli %while3A_116, %mul3A_239 : i32
      %not3A_241 = arith.constant 127 : i32
      %not3A_242 = arith.constant -1 : i32
      %not3A_243 = arith.xori %not3A_241, %not3A_242 : i32
      %and3A_244 = arith.andi %mul3A_240, %not3A_243 : i32
      %multiple_of3A_245 = tpu.assume_multiple %and3A_244, 128 : i32
      %sub3A_246 = arith.subi %mul3A_238, %multiple_of3A_245 : i32
      %broadcast_in_dim3A_247 = arith.constant 0 : i32
      %broadcast_in_dim3A_248 = vector.broadcast %broadcast_in_dim3A_247 : i32 to vector<16xi32>
      %broadcast_in_dim3A_249 = arith.constant 1 : i32
      %broadcast_in_dim3A_250 = vector.broadcast %broadcast_in_dim3A_249 : i32 to vector<16xi32>
      %broadcast_in_dim3A_251 = arith.constant 2 : i32
      %broadcast_in_dim3A_252 = vector.broadcast %broadcast_in_dim3A_251 : i32 to vector<16xi32>
      %broadcast_in_dim3A_253 = arith.constant 3 : i32
      %broadcast_in_dim3A_254 = vector.broadcast %broadcast_in_dim3A_253 : i32 to vector<16xi32>
      %broadcast_in_dim3A_255 = arith.constant 4 : i32
      %broadcast_in_dim3A_256 = vector.broadcast %broadcast_in_dim3A_255 : i32 to vector<16xi32>
      %broadcast_in_dim3A_257 = arith.constant 5 : i32
      %broadcast_in_dim3A_258 = vector.broadcast %broadcast_in_dim3A_257 : i32 to vector<16xi32>
      %broadcast_in_dim3A_259 = arith.constant 6 : i32
      %broadcast_in_dim3A_260 = vector.broadcast %broadcast_in_dim3A_259 : i32 to vector<16xi32>
      %broadcast_in_dim3A_261 = arith.constant 7 : i32
      %broadcast_in_dim3A_262 = vector.broadcast %broadcast_in_dim3A_261 : i32 to vector<16xi32>
      %parallel_loop3A_263 = arith.constant 0 : i32
      %parallel_loop3A_264 = arith.constant 256 : i32
      %parallel_loop3A_265 = arith.constant 1 : i32
      scf.for %parallel_loop3A_281 = %parallel_loop3A_263 to %parallel_loop3A_264 step %parallel_loop3A_265  : i32 {
        %parallel_loop3A_282 = arith.constant 16 : i32
        %parallel_loop3A_283 = arith.muli %parallel_loop3A_281, %parallel_loop3A_282 : i32
        %parallel_loop3A_284 = arith.constant 0 : i32
        %parallel_loop3A_285 = arith.index_cast %rem3A_121 : i32 to index
        %parallel_loop3A_286 = arith.index_cast %parallel_loop3A_284 : i32 to index
        %parallel_loop3A_287 = arith.index_cast %parallel_loop3A_283 : i32 to index
        %parallel_loop3A_288 = tpu.vector_load %arg9[%parallel_loop3A_285, %parallel_loop3A_286, %parallel_loop3A_287] {strides = array<i32>} : memref<2x1x4096xi32, #tpu.memory_space<vmem>>, vector<16xi32>,
        %parallel_loop3A_289 = vector.broadcast %sub3A_246 : i32 to vector<16xi32>
        %parallel_loop3A_290 = arith.addi %parallel_loop3A_288, %parallel_loop3A_289 : vector<16xi32>
        %parallel_loop3A_291 = arith.constant 16 : i32
        %parallel_loop3A_292 = arith.muli %parallel_loop3A_281, %parallel_loop3A_291 : i32
        %parallel_loop3A_293 = arith.constant 0 : i32
        %parallel_loop3A_294 = arith.index_cast %parallel_loop3A_293 : i32 to index
        %parallel_loop3A_295 = arith.index_cast %parallel_loop3A_292 : i32 to index
        %parallel_loop3A_296 = tpu.vector_load %arg7[%parallel_loop3A_294, %parallel_loop3A_295] {strides = array<i32>} : memref<8x4096xf32, #tpu.memory_space<vmem>>, vector<16xf32>,
        %parallel_loop3A_297 = tpu.vector_load_idx %arg6[%broadcast_in_dim3A_248, %parallel_loop3A_290] : memref<8x4096xf32, #tpu.memory_space<vmem>>[vector<16xi32>, vector<16xi32>], vector<16xf32>,
        %parallel_loop3A_298 = arith.mulf %parallel_loop3A_296, %parallel_loop3A_297 : vector<16xf32>
        %parallel_loop3A_299 = arith.constant 0 : i32
        %parallel_loop3A_300 = arith.index_cast %parallel_loop3A_299 : i32 to index
        %parallel_loop3A_301 = arith.index_cast %parallel_loop3A_292 : i32 to index
        %parallel_loop3A_302 = tpu.vector_load %arg7[%parallel_loop3A_300, %parallel_loop3A_301] {strides = array<i32>} : memref<8x4096xf32, #tpu.memory_space<vmem>>, vector<16xf32>,
        tpu.vector_store %arg7[%parallel_loop3A_300, %parallel_loop3A_301], %parallel_loop3A_298 {strides = array<i32>} : memref<8x4096xf32, #tpu.memory_space<vmem>>, vector<16xf32>,
        %parallel_loop3A_303 = arith.constant 16 : i32
        %parallel_loop3A_304 = arith.muli %parallel_loop3A_281, %parallel_loop3A_303 : i32
        %parallel_loop3A_305 = arith.constant 1 : i32
        %parallel_loop3A_306 = arith.index_cast %parallel_loop3A_305 : i32 to index
        %parallel_loop3A_307 = arith.index_cast %parallel_loop3A_304 : i32 to index
        %parallel_loop3A_308 = tpu.vector_load %arg7[%parallel_loop3A_306, %parallel_loop3A_307] {strides = array<i32>} : memref<8x4096xf32, #tpu.memory_space<vmem>>, vector<16xf32>,
        %parallel_loop3A_309 = tpu.vector_load_idx %arg6[%broadcast_in_dim3A_250, %parallel_loop3A_290] : memref<8x4096xf32, #tpu.memory_space<vmem>>[vector<16xi32>, vector<16xi32>], vector<16xf32>,
        %parallel_loop3A_310 = arith.mulf %parallel_loop3A_308, %parallel_loop3A_309 : vector<16xf32>
        %parallel_loop3A_311 = arith.constant 1 : i32
        %parallel_loop3A_312 = arith.index_cast %parallel_loop3A_311 : i32 to index
        %parallel_loop3A_313 = arith.index_cast %parallel_loop3A_304 : i32 to index
        %parallel_loop3A_314 = tpu.vector_load %arg7[%parallel_loop3A_312, %parallel_loop3A_313] {strides = array<i32>} : memref<8x4096xf32, #tpu.memory_space<vmem>>, vector<16xf32>,
        tpu.vector_store %arg7[%parallel_loop3A_312, %parallel_loop3A_313], %parallel_loop3A_310 {strides = array<i32>} : memref<8x4096xf32, #tpu.memory_space<vmem>>, vector<16xf32>,
        %parallel_loop3A_315 = arith.constant 16 : i32
        %parallel_loop3A_316 = arith.muli %parallel_loop3A_281, %parallel_loop3A_315 : i32
        %parallel_loop3A_317 = arith.constant 2 : i32
        %parallel_loop3A_318 = arith.index_cast %parallel_loop3A_317 : i32 to index
        %parallel_loop3A_319 = arith.index_cast %parallel_loop3A_316 : i32 to index
        %parallel_loop3A_320 = tpu.vector_load %arg7[%parallel_loop3A_318, %parallel_loop3A_319] {strides = array<i32>} : memref<8x4096xf32, #tpu.memory_space<vmem>>, vector<16xf32>,
        %parallel_loop3A_321 = tpu.vector_load_idx %arg6[%broadcast_in_dim3A_252, %parallel_loop3A_290] : memref<8x4096xf32, #tpu.memory_space<vmem>>[vector<16xi32>, vector<16xi32>], vector<16xf32>,
        %parallel_loop3A_322 = arith.mulf %parallel_loop3A_320, %parallel_loop3A_321 : vector<16xf32>
        %parallel_loop3A_323 = arith.constant 2 : i32
        %parallel_loop3A_324 = arith.index_cast %parallel_loop3A_323 : i32 to index
        %parallel_loop3A_325 = arith.index_cast %parallel_loop3A_316 : i32 to index
        %parallel_loop3A_326 = tpu.vector_load %arg7[%parallel_loop3A_324, %parallel_loop3A_325] {strides = array<i32>} : memref<8x4096xf32, #tpu.memory_space<vmem>>, vector<16xf32>,
        tpu.vector_store %arg7[%parallel_loop3A_324, %parallel_loop3A_325], %parallel_loop3A_322 {strides = array<i32>} : memref<8x4096xf32, #tpu.memory_space<vmem>>, vector<16xf32>,
        %parallel_loop3A_327 = arith.constant 16 : i32
        %parallel_loop3A_328 = arith.muli %parallel_loop3A_281, %parallel_loop3A_327 : i32
        %parallel_loop3A_329 = arith.constant 3 : i32
        %parallel_loop3A_330 = arith.index_cast %parallel_loop3A_329 : i32 to index
        %parallel_loop3A_331 = arith.index_cast %parallel_loop3A_328 : i32 to index
        %parallel_loop3A_332 = tpu.vector_load %arg7[%parallel_loop3A_330, %parallel_loop3A_331] {strides = array<i32>} : memref<8x4096xf32, #tpu.memory_space<vmem>>, vector<16xf32>,
        %parallel_loop3A_333 = tpu.vector_load_idx %arg6[%broadcast_in_dim3A_254, %parallel_loop3A_290] : memref<8x4096xf32, #tpu.memory_space<vmem>>[vector<16xi32>, vector<16xi32>], vector<16xf32>,
        %parallel_loop3A_334 = arith.mulf %parallel_loop3A_332, %parallel_loop3A_333 : vector<16xf32>
        %parallel_loop3A_335 = arith.constant 3 : i32
        %parallel_loop3A_336 = arith.index_cast %parallel_loop3A_335 : i32 to index
        %parallel_loop3A_337 = arith.index_cast %parallel_loop3A_328 : i32 to index
        %parallel_loop3A_338 = tpu.vector_load %arg7[%parallel_loop3A_336, %parallel_loop3A_337] {strides = array<i32>} : memref<8x4096xf32, #tpu.memory_space<vmem>>, vector<16xf32>,
        tpu.vector_store %arg7[%parallel_loop3A_336, %parallel_loop3A_337], %parallel_loop3A_334 {strides = array<i32>} : memref<8x4096xf32, #tpu.memory_space<vmem>>, vector<16xf32>,
        %parallel_loop3A_339 = arith.constant 16 : i32
        %parallel_loop3A_340 = arith.muli %parallel_loop3A_281, %parallel_loop3A_339 : i32
        %parallel_loop3A_341 = arith.constant 4 : i32
        %parallel_loop3A_342 = arith.index_cast %parallel_loop3A_341 : i32 to index
        %parallel_loop3A_343 = arith.index_cast %parallel_loop3A_340 : i32 to index
        %parallel_loop3A_344 = tpu.vector_load %arg7[%parallel_loop3A_342, %parallel_loop3A_343] {strides = array<i32>} : memref<8x4096xf32, #tpu.memory_space<vmem>>, vector<16xf32>,
        %parallel_loop3A_345 = tpu.vector_load_idx %arg6[%broadcast_in_dim3A_256, %parallel_loop3A_290] : memref<8x4096xf32, #tpu.memory_space<vmem>>[vector<16xi32>, vector<16xi32>], vector<16xf32>,
        %parallel_loop3A_346 = arith.mulf %parallel_loop3A_344, %parallel_loop3A_345 : vector<16xf32>
        %parallel_loop3A_347 = arith.constant 4 : i32
        %parallel_loop3A_348 = arith.index_cast %parallel_loop3A_347 : i32 to index
        %parallel_loop3A_349 = arith.index_cast %parallel_loop3A_340 : i32 to index
        %parallel_loop3A_350 = tpu.vector_load %arg7[%parallel_loop3A_348, %parallel_loop3A_349] {strides = array<i32>} : memref<8x4096xf32, #tpu.memory_space<vmem>>, vector<16xf32>,
        tpu.vector_store %arg7[%parallel_loop3A_348, %parallel_loop3A_349], %parallel_loop3A_346 {strides = array<i32>} : memref<8x4096xf32, #tpu.memory_space<vmem>>, vector<16xf32>,
        %parallel_loop3A_351 = arith.constant 16 : i32
        %parallel_loop3A_352 = arith.muli %parallel_loop3A_281, %parallel_loop3A_351 : i32
        %parallel_loop3A_353 = arith.constant 5 : i32
        %parallel_loop3A_354 = arith.index_cast %parallel_loop3A_353 : i32 to index
        %parallel_loop3A_355 = arith.index_cast %parallel_loop3A_352 : i32 to index
        %parallel_loop3A_356 = tpu.vector_load %arg7[%parallel_loop3A_354, %parallel_loop3A_355] {strides = array<i32>} : memref<8x4096xf32, #tpu.memory_space<vmem>>, vector<16xf32>,
        %parallel_loop3A_357 = tpu.vector_load_idx %arg6[%broadcast_in_dim3A_258, %parallel_loop3A_290] : memref<8x4096xf32, #tpu.memory_space<vmem>>[vector<16xi32>, vector<16xi32>], vector<16xf32>,
        %parallel_loop3A_358 = arith.mulf %parallel_loop3A_356, %parallel_loop3A_357 : vector<16xf32>
        %parallel_loop3A_359 = arith.constant 5 : i32
        %parallel_loop3A_360 = arith.index_cast %parallel_loop3A_359 : i32 to index
        %parallel_loop3A_361 = arith.index_cast %parallel_loop3A_352 : i32 to index
        %parallel_loop3A_362 = tpu.vector_load %arg7[%parallel_loop3A_360, %parallel_loop3A_361] {strides = array<i32>} : memref<8x4096xf32, #tpu.memory_space<vmem>>, vector<16xf32>,
        tpu.vector_store %arg7[%parallel_loop3A_360, %parallel_loop3A_361], %parallel_loop3A_358 {strides = array<i32>} : memref<8x4096xf32, #tpu.memory_space<vmem>>, vector<16xf32>,
        %parallel_loop3A_363 = arith.constant 16 : i32
        %parallel_loop3A_364 = arith.muli %parallel_loop3A_281, %parallel_loop3A_363 : i32
        %parallel_loop3A_365 = arith.constant 6 : i32
        %parallel_loop3A_366 = arith.index_cast %parallel_loop3A_365 : i32 to index
        %parallel_loop3A_367 = arith.index_cast %parallel_loop3A_364 : i32 to index
        %parallel_loop3A_368 = tpu.vector_load %arg7[%parallel_loop3A_366, %parallel_loop3A_367] {strides = array<i32>} : memref<8x4096xf32, #tpu.memory_space<vmem>>, vector<16xf32>,
        %parallel_loop3A_369 = tpu.vector_load_idx %arg6[%broadcast_in_dim3A_260, %parallel_loop3A_290] : memref<8x4096xf32, #tpu.memory_space<vmem>>[vector<16xi32>, vector<16xi32>], vector<16xf32>,
        %parallel_loop3A_370 = arith.mulf %parallel_loop3A_368, %parallel_loop3A_369 : vector<16xf32>
        %parallel_loop3A_371 = arith.constant 6 : i32
        %parallel_loop3A_372 = arith.index_cast %parallel_loop3A_371 : i32 to index
        %parallel_loop3A_373 = arith.index_cast %parallel_loop3A_364 : i32 to index
        %parallel_loop3A_374 = tpu.vector_load %arg7[%parallel_loop3A_372, %parallel_loop3A_373] {strides = array<i32>} : memref<8x4096xf32, #tpu.memory_space<vmem>>, vector<16xf32>,
        tpu.vector_store %arg7[%parallel_loop3A_372, %parallel_loop3A_373], %parallel_loop3A_370 {strides = array<i32>} : memref<8x4096xf32, #tpu.memory_space<vmem>>, vector<16xf32>,
        %parallel_loop3A_375 = arith.constant 16 : i32
        %parallel_loop3A_376 = arith.muli %parallel_loop3A_281, %parallel_loop3A_375 : i32
        %parallel_loop3A_377 = arith.constant 7 : i32
        %parallel_loop3A_378 = arith.index_cast %parallel_loop3A_377 : i32 to index
        %parallel_loop3A_379 = arith.index_cast %parallel_loop3A_376 : i32 to index
        %parallel_loop3A_380 = tpu.vector_load %arg7[%parallel_loop3A_378, %parallel_loop3A_379] {strides = array<i32>} : memref<8x4096xf32, #tpu.memory_space<vmem>>, vector<16xf32>,
        %parallel_loop3A_381 = tpu.vector_load_idx %arg6[%broadcast_in_dim3A_262, %parallel_loop3A_290] : memref<8x4096xf32, #tpu.memory_space<vmem>>[vector<16xi32>, vector<16xi32>], vector<16xf32>,
        %parallel_loop3A_382 = arith.mulf %parallel_loop3A_380, %parallel_loop3A_381 : vector<16xf32>
        %parallel_loop3A_383 = arith.constant 7 : i32
        %parallel_loop3A_384 = arith.index_cast %parallel_loop3A_383 : i32 to index
        %parallel_loop3A_385 = arith.index_cast %parallel_loop3A_376 : i32 to index
        %parallel_loop3A_386 = tpu.vector_load %arg7[%parallel_loop3A_384, %parallel_loop3A_385] {strides = array<i32>} : memref<8x4096xf32, #tpu.memory_space<vmem>>, vector<16xf32>,
        tpu.vector_store %arg7[%parallel_loop3A_384, %parallel_loop3A_385], %parallel_loop3A_382 {strides = array<i32>} : memref<8x4096xf32, #tpu.memory_space<vmem>>, vector<16xf32>,
      } {sc.loop_unroll_factor = 2 : i64, sc.parallel_access}
      %mul3A_266 = arith.constant 8 : i32
      %mul3A_267 = arith.muli %while3A_118, %mul3A_266 : i32
      %multiple_of3A_268 = tpu.assume_multiple %mul3A_267, 8 : i32
      %dma_start3A_269 = arith.constant 0 : i32
      %dma_start3A_270 = tpu.memref_slice %arg4[%while3A_117, %multiple_of3A_268, %dma_start3A_269] : memref<325x16x4096xf32, #tpu.memory_space<hbm>> -> memref<1x8x4096xf32, #tpu.memory_space<hbm>>
      %dma_start3A_271 = tpu.memref_squeeze %dma_start3A_270 : memref<1x8x4096xf32, #tpu.memory_space<hbm>> -> memref<8x4096xf32, #tpu.memory_space<hbm>>
      %dma_start3A_272 = arith.constant 0 : i32
      %dma_start3A_273 = tpu.memref_slice %arg4[%while3A_117, %multiple_of3A_268, %dma_start3A_272] : memref<325x16x4096xf32, #tpu.memory_space<hbm>> -> memref<1x8x4096xf32, #tpu.memory_space<hbm>>
      %dma_start3A_274 = tpu.memref_squeeze %dma_start3A_273 : memref<1x8x4096xf32, #tpu.memory_space<hbm>> -> memref<8x4096xf32, #tpu.memory_space<hbm>>
      tpu.enqueue_dma source(%arg7 : memref<8x4096xf32, #tpu.memory_space<vmem>>) target(%dma_start3A_274 : memref<8x4096xf32, #tpu.memory_space<hbm>>) target_semaphore(%arg13 : memref<!tpu.dma_semaphore, #tpu.memory_space<semaphore_mem>>)
      %add3A_275 = arith.constant 1 : i32
      %add3A_276 = arith.addi %while3A_114, %add3A_275 : i32
      %lt3A_277 = arith.cmpi slt, %add3A_276, %select_n3A : i32
      %convert_element_type3A_278 = arith.extui %lt3A_277 : i1 to i32
      %cond3A_279 = arith.constant 0 : i32
      %cond3A_280 = arith.cmpi ne, %convert_element_type3A_278, %cond3A_279 : i32
      scf.if %cond3A_280 {
        %mul3A_281 = arith.constant 8 : i32
        %mul3A_282 = arith.muli %select_n3A_126, %mul3A_281 : i32
        %multiple_of3A_283 = tpu.assume_multiple %mul3A_282, 8 : i32
        %mul3A_284 = arith.constant 4000 : i32
        %mul3A_285 = arith.muli %select_n3A_141, %mul3A_284 : i32
        %not3A_286 = arith.constant 127 : i32
        %not3A_287 = arith.constant -1 : i32
        %not3A_288 = arith.xori %not3A_286, %not3A_287 : i32
        %and3A_289 = arith.andi %mul3A_285, %not3A_288 : i32
        %multiple_of3A_290 = tpu.assume_multiple %and3A_289, 128 : i32
        %dma_start3A_291 = tpu.memref_slice %arg2[%select_n3A_138, %multiple_of3A_283, %multiple_of3A_290] : memref<26x16x104000xf32, #tpu.memory_space<hbm>> -> memref<1x8x4096xf32, #tpu.memory_space<hbm>>
        %dma_start3A_292 = tpu.memref_squeeze %dma_start3A_291 : memref<1x8x4096xf32, #tpu.memory_space<hbm>> -> memref<8x4096xf32, #tpu.memory_space<hbm>>
        %dma_start3A_293 = tpu.memref_slice %arg2[%select_n3A_138, %multiple_of3A_283, %multiple_of3A_290] : memref<26x16x104000xf32, #tpu.memory_space<hbm>> -> memref<1x8x4096xf32, #tpu.memory_space<hbm>>
        %dma_start3A_294 = tpu.memref_squeeze %dma_start3A_293 : memref<1x8x4096xf32, #tpu.memory_space<hbm>> -> memref<8x4096xf32, #tpu.memory_space<hbm>>
        tpu.enqueue_dma source(%dma_start3A_294 : memref<8x4096xf32, #tpu.memory_space<hbm>>) target(%arg6 : memref<8x4096xf32, #tpu.memory_space<vmem>>) target_semaphore(%arg11 : memref<!tpu.dma_semaphore, #tpu.memory_space<semaphore_mem>>)
      } else {
      }
      scf.yield %select_n3A_138, %select_n3A_141, %select_n3A_129, %select_n3A_126 : i32, i32, i32, i32
    }
    %while3A_104 = arith.constant 1 : i32
    %while3A_105:4 = scf.for %while3A_114 = %while3A_101 to %while3A_97 step %while3A_104 iter_args(%while3A_115 = %while3A_103#0, %while3A_116 = %while3A_103#1, %while3A_117 = %while3A_103#2, %while3A_118 = %while3A_103#3) -> (i32, i32, i32, i32)  : i32 {
      %add3A_119 = arith.addi %add3A_4, %while3A_114 : i32
      %rem3A_120 = arith.constant 2 : i32
      %rem3A_121 = arith.remsi %add3A_119, %rem3A_120 : i32
      %add3A_122 = arith.constant 1 : i32
      %add3A_123 = arith.addi %while3A_118, %add3A_122 : i32
      %eq3A = arith.constant 2 : i32
      %eq3A_124 = arith.cmpi eq, %add3A_123, %eq3A : i32
      %jit3A_125 = arith.constant 0 : i32
      %select_n3A_126 = arith.select %eq3A_124, %jit3A_125, %add3A_123 : i32
      %add3A_127 = arith.constant 1 : i32
      %add3A_128 = arith.addi %while3A_117, %add3A_127 : i32
      %select_n3A_129 = arith.select %eq3A_124, %add3A_128, %while3A_117 : i32
      %add3A_130 = arith.constant 1 : i32
      %add3A_131 = arith.addi %while3A_116, %add3A_130 : i32
      %select_n3A_132 = arith.select %eq3A_124, %add3A_131, %while3A_116 : i32
      %eq3A_133 = arith.constant 26 : i32
      %eq3A_134 = arith.cmpi eq, %select_n3A_132, %eq3A_133 : i32
      %and3A_135 = arith.andi %eq3A_124, %eq3A_134 : i1
      %add3A_136 = arith.constant 1 : i32
      %add3A_137 = arith.addi %while3A_115, %add3A_136 : i32
      %select_n3A_138 = arith.select %and3A_135, %add3A_137, %while3A_115 : i32
      %add3A_139 = arith.constant 1 : i32
      %add3A_140 = arith.addi %select_n3A_138, %add3A_139 : i32
      %select_n3A_141 = arith.select %and3A_135, %add3A_140, %select_n3A_132 : i32
      %mul3A_142 = arith.constant 8 : i32
      %mul3A_143 = arith.muli %while3A_118, %mul3A_142 : i32
      %multiple_of3A_144 = tpu.assume_multiple %mul3A_143, 8 : i32
      %mul3A_145 = arith.constant 4000 : i32
      %mul3A_146 = arith.muli %while3A_115, %mul3A_145 : i32
      %not3A_147 = arith.constant 127 : i32
      %not3A_148 = arith.constant -1 : i32
      %not3A_149 = arith.xori %not3A_147, %not3A_148 : i32
      %and3A_150 = arith.andi %mul3A_146, %not3A_149 : i32
      %multiple_of3A_151 = tpu.assume_multiple %and3A_150, 128 : i32
      %dma_wait3A_152 = tpu.memref_slice %arg2[%while3A_116, %multiple_of3A_144, %multiple_of3A_151] : memref<26x16x104000xf32, #tpu.memory_space<hbm>> -> memref<1x8x4096xf32, #tpu.memory_space<hbm>>
      %dma_wait3A_153 = tpu.memref_squeeze %dma_wait3A_152 : memref<1x8x4096xf32, #tpu.memory_space<hbm>> -> memref<8x4096xf32, #tpu.memory_space<hbm>>
      %dma_wait3A_154 = tpu.memref_slice %arg2[%while3A_116, %multiple_of3A_144, %multiple_of3A_151] : memref<26x16x104000xf32, #tpu.memory_space<hbm>> -> memref<1x8x4096xf32, #tpu.memory_space<hbm>>
      %dma_wait3A_155 = tpu.memref_squeeze %dma_wait3A_154 : memref<1x8x4096xf32, #tpu.memory_space<hbm>> -> memref<8x4096xf32, #tpu.memory_space<hbm>>
      tpu.wait_dma2 semaphore(%arg10 : memref<!tpu.dma_semaphore, #tpu.memory_space<semaphore_mem>>) src(%dma_wait3A_155 : memref<8x4096xf32, #tpu.memory_space<hbm>>) dst(%arg5 : memref<8x4096xf32, #tpu.memory_space<vmem>>)
      %dma_wait3A_156 = arith.constant 0 : i32
      %dma_wait3A_157 = arith.constant 0 : i32
      %dma_wait3A_158 = tpu.memref_slice %arg8[%rem3A_121, %dma_wait3A_156, %dma_wait3A_157] : memref<2x1x4096xi32, #tpu.memory_space<vmem>> -> memref<1x1x4096xi32, #tpu.memory_space<vmem>>
      %dma_wait3A_159 = tpu.memref_squeeze %dma_wait3A_158 : memref<1x1x4096xi32, #tpu.memory_space<vmem>> -> memref<1x4096xi32, #tpu.memory_space<vmem>>
      %dma_wait3A_160 = arith.constant 0 : i32
      %dma_wait3A_161 = arith.constant 0 : i32
      %dma_wait3A_162 = tpu.memref_slice %arg3[%while3A_115, %dma_wait3A_160, %dma_wait3A_161] : memref<26x1x4096xi32, #tpu.memory_space<hbm>> -> memref<1x1x4096xi32, #tpu.memory_space<hbm>>
      %dma_wait3A_163 = tpu.memref_squeeze %dma_wait3A_162 : memref<1x1x4096xi32, #tpu.memory_space<hbm>> -> memref<1x4096xi32, #tpu.memory_space<hbm>>
      %dma_wait3A_164 = arith.constant 0 : i32
      %dma_wait3A_165 = arith.constant 0 : i32
      %dma_wait3A_166 = tpu.memref_slice %arg8[%rem3A_121, %dma_wait3A_164, %dma_wait3A_165] : memref<2x1x4096xi32, #tpu.memory_space<vmem>> -> memref<1x1x4096xi32, #tpu.memory_space<vmem>>
      %dma_wait3A_167 = tpu.memref_squeeze %dma_wait3A_166 : memref<1x1x4096xi32, #tpu.memory_space<vmem>> -> memref<1x4096xi32, #tpu.memory_space<vmem>>
      %dma_wait3A_168 = arith.constant 0 : i32
      %dma_wait3A_169 = arith.constant 0 : i32
      %dma_wait3A_170 = tpu.memref_slice %arg3[%while3A_115, %dma_wait3A_168, %dma_wait3A_169] : memref<26x1x4096xi32, #tpu.memory_space<hbm>> -> memref<1x1x4096xi32, #tpu.memory_space<hbm>>
      %dma_wait3A_171 = tpu.memref_squeeze %dma_wait3A_170 : memref<1x1x4096xi32, #tpu.memory_space<hbm>> -> memref<1x4096xi32, #tpu.memory_space<hbm>>
      tpu.wait_dma2 semaphore(%arg12 : memref<!tpu.dma_semaphore, #tpu.memory_space<semaphore_mem>>) src(%dma_wait3A_171 : memref<1x4096xi32, #tpu.memory_space<hbm>>) dst(%dma_wait3A_167 : memref<1x4096xi32, #tpu.memory_space<vmem>>)
      %dma_wait3A_172 = arith.constant 0 : i32
      %dma_wait3A_173 = arith.constant 0 : i32
      %dma_wait3A_174 = tpu.memref_slice %arg9[%rem3A_121, %dma_wait3A_172, %dma_wait3A_173] : memref<2x1x4096xi32, #tpu.memory_space<vmem>> -> memref<1x1x4096xi32, #tpu.memory_space<vmem>>
      %dma_wait3A_175 = tpu.memref_squeeze %dma_wait3A_174 : memref<1x1x4096xi32, #tpu.memory_space<vmem>> -> memref<1x4096xi32, #tpu.memory_space<vmem>>
      %dma_wait3A_176 = arith.constant 0 : i32
      %dma_wait3A_177 = arith.constant 0 : i32
      %dma_wait3A_178 = tpu.memref_slice %arg3[%while3A_116, %dma_wait3A_176, %dma_wait3A_177] : memref<26x1x4096xi32, #tpu.memory_space<hbm>> -> memref<1x1x4096xi32, #tpu.memory_space<hbm>>
      %dma_wait3A_179 = tpu.memref_squeeze %dma_wait3A_178 : memref<1x1x4096xi32, #tpu.memory_space<hbm>> -> memref<1x4096xi32, #tpu.memory_space<hbm>>
      %dma_wait3A_180 = arith.constant 0 : i32
      %dma_wait3A_181 = arith.constant 0 : i32
      %dma_wait3A_182 = tpu.memref_slice %arg9[%rem3A_121, %dma_wait3A_180, %dma_wait3A_181] : memref<2x1x4096xi32, #tpu.memory_space<vmem>> -> memref<1x1x4096xi32, #tpu.memory_space<vmem>>
      %dma_wait3A_183 = tpu.memref_squeeze %dma_wait3A_182 : memref<1x1x4096xi32, #tpu.memory_space<vmem>> -> memref<1x4096xi32, #tpu.memory_space<vmem>>
      %dma_wait3A_184 = arith.constant 0 : i32
      %dma_wait3A_185 = arith.constant 0 : i32
      %dma_wait3A_186 = tpu.memref_slice %arg3[%while3A_116, %dma_wait3A_184, %dma_wait3A_185] : memref<26x1x4096xi32, #tpu.memory_space<hbm>> -> memref<1x1x4096xi32, #tpu.memory_space<hbm>>
      %dma_wait3A_187 = tpu.memref_squeeze %dma_wait3A_186 : memref<1x1x4096xi32, #tpu.memory_space<hbm>> -> memref<1x4096xi32, #tpu.memory_space<hbm>>
      tpu.wait_dma2 semaphore(%arg12 : memref<!tpu.dma_semaphore, #tpu.memory_space<semaphore_mem>>) src(%dma_wait3A_187 : memref<1x4096xi32, #tpu.memory_space<hbm>>) dst(%dma_wait3A_183 : memref<1x4096xi32, #tpu.memory_space<vmem>>)
      %gt3A = arith.constant 0 : i32
      %gt3A_188 = arith.cmpi sgt, %while3A_114, %gt3A : i32
      %convert_element_type3A = arith.extui %gt3A_188 : i1 to i32
      %cond3A = arith.constant 0 : i32
      %cond3A_189 = arith.cmpi ne, %convert_element_type3A, %cond3A : i32
      scf.if %cond3A_189 {
        %mul3A_281 = arith.constant 8 : i32
        %mul3A_282 = arith.muli %while3A_118, %mul3A_281 : i32
        %multiple_of3A_283 = tpu.assume_multiple %mul3A_282, 8 : i32
        %dma_wait3A_284 = arith.constant 0 : i32
        %dma_wait3A_285 = tpu.memref_slice %arg4[%while3A_117, %multiple_of3A_283, %dma_wait3A_284] : memref<325x16x4096xf32, #tpu.memory_space<hbm>> -> memref<1x8x4096xf32, #tpu.memory_space<hbm>>
        %dma_wait3A_286 = tpu.memref_squeeze %dma_wait3A_285 : memref<1x8x4096xf32, #tpu.memory_space<hbm>> -> memref<8x4096xf32, #tpu.memory_space<hbm>>
        %dma_wait3A_287 = arith.constant 0 : i32
        %dma_wait3A_288 = tpu.memref_slice %arg4[%while3A_117, %multiple_of3A_283, %dma_wait3A_287] : memref<325x16x4096xf32, #tpu.memory_space<hbm>> -> memref<1x8x4096xf32, #tpu.memory_space<hbm>>
        %dma_wait3A_289 = tpu.memref_squeeze %dma_wait3A_288 : memref<1x8x4096xf32, #tpu.memory_space<hbm>> -> memref<8x4096xf32, #tpu.memory_space<hbm>>
        tpu.wait_dma2 semaphore(%arg13 : memref<!tpu.dma_semaphore, #tpu.memory_space<semaphore_mem>>) src(%arg7 : memref<8x4096xf32, #tpu.memory_space<vmem>>) dst(%dma_wait3A_289 : memref<8x4096xf32, #tpu.memory_space<hbm>>)
      } else {
      }
      %mul3A_190 = arith.constant 4000 : i32
      %mul3A_191 = arith.muli %while3A_115, %mul3A_190 : i32
      %mul3A_192 = arith.constant 4000 : i32
      %mul3A_193 = arith.muli %while3A_115, %mul3A_192 : i32
      %not3A_194 = arith.constant 127 : i32
      %not3A_195 = arith.constant -1 : i32
      %not3A_196 = arith.xori %not3A_194, %not3A_195 : i32
      %and3A_197 = arith.andi %mul3A_193, %not3A_196 : i32
      %multiple_of3A_198 = tpu.assume_multiple %and3A_197, 128 : i32
      %sub3A_199 = arith.subi %mul3A_191, %multiple_of3A_198 : i32
      %broadcast_in_dim3A = arith.constant 0 : i32
      %broadcast_in_dim3A_200 = vector.broadcast %broadcast_in_dim3A : i32 to vector<16xi32>
      %broadcast_in_dim3A_201 = arith.constant 1 : i32
      %broadcast_in_dim3A_202 = vector.broadcast %broadcast_in_dim3A_201 : i32 to vector<16xi32>
      %broadcast_in_dim3A_203 = arith.constant 2 : i32
      %broadcast_in_dim3A_204 = vector.broadcast %broadcast_in_dim3A_203 : i32 to vector<16xi32>
      %broadcast_in_dim3A_205 = arith.constant 3 : i32
      %broadcast_in_dim3A_206 = vector.broadcast %broadcast_in_dim3A_205 : i32 to vector<16xi32>
      %broadcast_in_dim3A_207 = arith.constant 4 : i32
      %broadcast_in_dim3A_208 = vector.broadcast %broadcast_in_dim3A_207 : i32 to vector<16xi32>
      %broadcast_in_dim3A_209 = arith.constant 5 : i32
      %broadcast_in_dim3A_210 = vector.broadcast %broadcast_in_dim3A_209 : i32 to vector<16xi32>
      %broadcast_in_dim3A_211 = arith.constant 6 : i32
      %broadcast_in_dim3A_212 = vector.broadcast %broadcast_in_dim3A_211 : i32 to vector<16xi32>
      %broadcast_in_dim3A_213 = arith.constant 7 : i32
      %broadcast_in_dim3A_214 = vector.broadcast %broadcast_in_dim3A_213 : i32 to vector<16xi32>
      %parallel_loop3A = arith.constant 0 : i32
      %parallel_loop3A_215 = arith.constant 256 : i32
      %parallel_loop3A_216 = arith.constant 1 : i32
      scf.for %parallel_loop3A_281 = %parallel_loop3A to %parallel_loop3A_215 step %parallel_loop3A_216  : i32 {
        %parallel_loop3A_282 = arith.constant 16 : i32
        %parallel_loop3A_283 = arith.muli %parallel_loop3A_281, %parallel_loop3A_282 : i32
        %parallel_loop3A_284 = arith.constant 0 : i32
        %parallel_loop3A_285 = arith.index_cast %rem3A_121 : i32 to index
        %parallel_loop3A_286 = arith.index_cast %parallel_loop3A_284 : i32 to index
        %parallel_loop3A_287 = arith.index_cast %parallel_loop3A_283 : i32 to index
        %parallel_loop3A_288 = tpu.vector_load %arg8[%parallel_loop3A_285, %parallel_loop3A_286, %parallel_loop3A_287] {strides = array<i32>} : memref<2x1x4096xi32, #tpu.memory_space<vmem>>, vector<16xi32>,
        %parallel_loop3A_289 = vector.broadcast %sub3A_199 : i32 to vector<16xi32>
        %parallel_loop3A_290 = arith.addi %parallel_loop3A_288, %parallel_loop3A_289 : vector<16xi32>
        %parallel_loop3A_291 = tpu.vector_load_idx %arg5[%broadcast_in_dim3A_200, %parallel_loop3A_290] : memref<8x4096xf32, #tpu.memory_space<vmem>>[vector<16xi32>, vector<16xi32>], vector<16xf32>,
        %parallel_loop3A_292 = arith.constant 16 : i32
        %parallel_loop3A_293 = arith.muli %parallel_loop3A_281, %parallel_loop3A_292 : i32
        %parallel_loop3A_294 = arith.constant 0 : i32
        %parallel_loop3A_295 = arith.index_cast %parallel_loop3A_294 : i32 to index
        %parallel_loop3A_296 = arith.index_cast %parallel_loop3A_293 : i32 to index
        %parallel_loop3A_297 = tpu.vector_load %arg7[%parallel_loop3A_295, %parallel_loop3A_296] {strides = array<i32>} : memref<8x4096xf32, #tpu.memory_space<vmem>>, vector<16xf32>,
        tpu.vector_store %arg7[%parallel_loop3A_295, %parallel_loop3A_296], %parallel_loop3A_291 {strides = array<i32>} : memref<8x4096xf32, #tpu.memory_space<vmem>>, vector<16xf32>,
        %parallel_loop3A_298 = tpu.vector_load_idx %arg5[%broadcast_in_dim3A_202, %parallel_loop3A_290] : memref<8x4096xf32, #tpu.memory_space<vmem>>[vector<16xi32>, vector<16xi32>], vector<16xf32>,
        %parallel_loop3A_299 = arith.constant 16 : i32
        %parallel_loop3A_300 = arith.muli %parallel_loop3A_281, %parallel_loop3A_299 : i32
        %parallel_loop3A_301 = arith.constant 1 : i32
        %parallel_loop3A_302 = arith.index_cast %parallel_loop3A_301 : i32 to index
        %parallel_loop3A_303 = arith.index_cast %parallel_loop3A_300 : i32 to index
        %parallel_loop3A_304 = tpu.vector_load %arg7[%parallel_loop3A_302, %parallel_loop3A_303] {strides = array<i32>} : memref<8x4096xf32, #tpu.memory_space<vmem>>, vector<16xf32>,
        tpu.vector_store %arg7[%parallel_loop3A_302, %parallel_loop3A_303], %parallel_loop3A_298 {strides = array<i32>} : memref<8x4096xf32, #tpu.memory_space<vmem>>, vector<16xf32>,
        %parallel_loop3A_305 = tpu.vector_load_idx %arg5[%broadcast_in_dim3A_204, %parallel_loop3A_290] : memref<8x4096xf32, #tpu.memory_space<vmem>>[vector<16xi32>, vector<16xi32>], vector<16xf32>,
        %parallel_loop3A_306 = arith.constant 16 : i32
        %parallel_loop3A_307 = arith.muli %parallel_loop3A_281, %parallel_loop3A_306 : i32
        %parallel_loop3A_308 = arith.constant 2 : i32
        %parallel_loop3A_309 = arith.index_cast %parallel_loop3A_308 : i32 to index
        %parallel_loop3A_310 = arith.index_cast %parallel_loop3A_307 : i32 to index
        %parallel_loop3A_311 = tpu.vector_load %arg7[%parallel_loop3A_309, %parallel_loop3A_310] {strides = array<i32>} : memref<8x4096xf32, #tpu.memory_space<vmem>>, vector<16xf32>,
        tpu.vector_store %arg7[%parallel_loop3A_309, %parallel_loop3A_310], %parallel_loop3A_305 {strides = array<i32>} : memref<8x4096xf32, #tpu.memory_space<vmem>>, vector<16xf32>,
        %parallel_loop3A_312 = tpu.vector_load_idx %arg5[%broadcast_in_dim3A_206, %parallel_loop3A_290] : memref<8x4096xf32, #tpu.memory_space<vmem>>[vector<16xi32>, vector<16xi32>], vector<16xf32>,
        %parallel_loop3A_313 = arith.constant 16 : i32
        %parallel_loop3A_314 = arith.muli %parallel_loop3A_281, %parallel_loop3A_313 : i32
        %parallel_loop3A_315 = arith.constant 3 : i32
        %parallel_loop3A_316 = arith.index_cast %parallel_loop3A_315 : i32 to index
        %parallel_loop3A_317 = arith.index_cast %parallel_loop3A_314 : i32 to index
        %parallel_loop3A_318 = tpu.vector_load %arg7[%parallel_loop3A_316, %parallel_loop3A_317] {strides = array<i32>} : memref<8x4096xf32, #tpu.memory_space<vmem>>, vector<16xf32>,
        tpu.vector_store %arg7[%parallel_loop3A_316, %parallel_loop3A_317], %parallel_loop3A_312 {strides = array<i32>} : memref<8x4096xf32, #tpu.memory_space<vmem>>, vector<16xf32>,
        %parallel_loop3A_319 = tpu.vector_load_idx %arg5[%broadcast_in_dim3A_208, %parallel_loop3A_290] : memref<8x4096xf32, #tpu.memory_space<vmem>>[vector<16xi32>, vector<16xi32>], vector<16xf32>,
        %parallel_loop3A_320 = arith.constant 16 : i32
        %parallel_loop3A_321 = arith.muli %parallel_loop3A_281, %parallel_loop3A_320 : i32
        %parallel_loop3A_322 = arith.constant 4 : i32
        %parallel_loop3A_323 = arith.index_cast %parallel_loop3A_322 : i32 to index
        %parallel_loop3A_324 = arith.index_cast %parallel_loop3A_321 : i32 to index
        %parallel_loop3A_325 = tpu.vector_load %arg7[%parallel_loop3A_323, %parallel_loop3A_324] {strides = array<i32>} : memref<8x4096xf32, #tpu.memory_space<vmem>>, vector<16xf32>,
        tpu.vector_store %arg7[%parallel_loop3A_323, %parallel_loop3A_324], %parallel_loop3A_319 {strides = array<i32>} : memref<8x4096xf32, #tpu.memory_space<vmem>>, vector<16xf32>,
        %parallel_loop3A_326 = tpu.vector_load_idx %arg5[%broadcast_in_dim3A_210, %parallel_loop3A_290] : memref<8x4096xf32, #tpu.memory_space<vmem>>[vector<16xi32>, vector<16xi32>], vector<16xf32>,
        %parallel_loop3A_327 = arith.constant 16 : i32
        %parallel_loop3A_328 = arith.muli %parallel_loop3A_281, %parallel_loop3A_327 : i32
        %parallel_loop3A_329 = arith.constant 5 : i32
        %parallel_loop3A_330 = arith.index_cast %parallel_loop3A_329 : i32 to index
        %parallel_loop3A_331 = arith.index_cast %parallel_loop3A_328 : i32 to index
        %parallel_loop3A_332 = tpu.vector_load %arg7[%parallel_loop3A_330, %parallel_loop3A_331] {strides = array<i32>} : memref<8x4096xf32, #tpu.memory_space<vmem>>, vector<16xf32>,
        tpu.vector_store %arg7[%parallel_loop3A_330, %parallel_loop3A_331], %parallel_loop3A_326 {strides = array<i32>} : memref<8x4096xf32, #tpu.memory_space<vmem>>, vector<16xf32>,
        %parallel_loop3A_333 = tpu.vector_load_idx %arg5[%broadcast_in_dim3A_212, %parallel_loop3A_290] : memref<8x4096xf32, #tpu.memory_space<vmem>>[vector<16xi32>, vector<16xi32>], vector<16xf32>,
        %parallel_loop3A_334 = arith.constant 16 : i32
        %parallel_loop3A_335 = arith.muli %parallel_loop3A_281, %parallel_loop3A_334 : i32
        %parallel_loop3A_336 = arith.constant 6 : i32
        %parallel_loop3A_337 = arith.index_cast %parallel_loop3A_336 : i32 to index
        %parallel_loop3A_338 = arith.index_cast %parallel_loop3A_335 : i32 to index
        %parallel_loop3A_339 = tpu.vector_load %arg7[%parallel_loop3A_337, %parallel_loop3A_338] {strides = array<i32>} : memref<8x4096xf32, #tpu.memory_space<vmem>>, vector<16xf32>,
        tpu.vector_store %arg7[%parallel_loop3A_337, %parallel_loop3A_338], %parallel_loop3A_333 {strides = array<i32>} : memref<8x4096xf32, #tpu.memory_space<vmem>>, vector<16xf32>,
        %parallel_loop3A_340 = tpu.vector_load_idx %arg5[%broadcast_in_dim3A_214, %parallel_loop3A_290] : memref<8x4096xf32, #tpu.memory_space<vmem>>[vector<16xi32>, vector<16xi32>], vector<16xf32>,
        %parallel_loop3A_341 = arith.constant 16 : i32
        %parallel_loop3A_342 = arith.muli %parallel_loop3A_281, %parallel_loop3A_341 : i32
        %parallel_loop3A_343 = arith.constant 7 : i32
        %parallel_loop3A_344 = arith.index_cast %parallel_loop3A_343 : i32 to index
        %parallel_loop3A_345 = arith.index_cast %parallel_loop3A_342 : i32 to index
        %parallel_loop3A_346 = tpu.vector_load %arg7[%parallel_loop3A_344, %parallel_loop3A_345] {strides = array<i32>} : memref<8x4096xf32, #tpu.memory_space<vmem>>, vector<16xf32>,
        tpu.vector_store %arg7[%parallel_loop3A_344, %parallel_loop3A_345], %parallel_loop3A_340 {strides = array<i32>} : memref<8x4096xf32, #tpu.memory_space<vmem>>, vector<16xf32>,
      } {sc.loop_unroll_factor = 2 : i64, sc.parallel_access}
      %add3A_217 = arith.constant 1 : i32
      %add3A_218 = arith.addi %while3A_114, %add3A_217 : i32
      %lt3A_219 = arith.cmpi slt, %add3A_218, %select_n3A : i32
      %convert_element_type3A_220 = arith.extui %lt3A_219 : i1 to i32
      %cond3A_221 = arith.constant 0 : i32
      %cond3A_222 = arith.cmpi ne, %convert_element_type3A_220, %cond3A_221 : i32
      scf.if %cond3A_222 {
        %mul3A_281 = arith.constant 8 : i32
        %mul3A_282 = arith.muli %select_n3A_126, %mul3A_281 : i32
        %multiple_of3A_283 = tpu.assume_multiple %mul3A_282, 8 : i32
        %mul3A_284 = arith.constant 4000 : i32
        %mul3A_285 = arith.muli %select_n3A_138, %mul3A_284 : i32
        %not3A_286 = arith.constant 127 : i32
        %not3A_287 = arith.constant -1 : i32
        %not3A_288 = arith.xori %not3A_286, %not3A_287 : i32
        %and3A_289 = arith.andi %mul3A_285, %not3A_288 : i32
        %multiple_of3A_290 = tpu.assume_multiple %and3A_289, 128 : i32
        %dma_start3A_291 = tpu.memref_slice %arg2[%select_n3A_141, %multiple_of3A_283, %multiple_of3A_290] : memref<26x16x104000xf32, #tpu.memory_space<hbm>> -> memref<1x8x4096xf32, #tpu.memory_space<hbm>>
        %dma_start3A_292 = tpu.memref_squeeze %dma_start3A_291 : memref<1x8x4096xf32, #tpu.memory_space<hbm>> -> memref<8x4096xf32, #tpu.memory_space<hbm>>
        %dma_start3A_293 = tpu.memref_slice %arg2[%select_n3A_141, %multiple_of3A_283, %multiple_of3A_290] : memref<26x16x104000xf32, #tpu.memory_space<hbm>> -> memref<1x8x4096xf32, #tpu.memory_space<hbm>>
        %dma_start3A_294 = tpu.memref_squeeze %dma_start3A_293 : memref<1x8x4096xf32, #tpu.memory_space<hbm>> -> memref<8x4096xf32, #tpu.memory_space<hbm>>
        tpu.enqueue_dma source(%dma_start3A_294 : memref<8x4096xf32, #tpu.memory_space<hbm>>) target(%arg5 : memref<8x4096xf32, #tpu.memory_space<vmem>>) target_semaphore(%arg10 : memref<!tpu.dma_semaphore, #tpu.memory_space<semaphore_mem>>)
        %add3A_295 = arith.constant 1 : i32
        %add3A_296 = arith.addi %add3A_119, %add3A_295 : i32
        %rem3A_297 = arith.constant 2 : i32
        %rem3A_298 = arith.remsi %add3A_296, %rem3A_297 : i32
        %dma_start3A_299 = arith.constant 0 : i32
        %dma_start3A_300 = arith.constant 0 : i32
        %dma_start3A_301 = tpu.memref_slice %arg8[%rem3A_298, %dma_start3A_299, %dma_start3A_300] : memref<2x1x4096xi32, #tpu.memory_space<vmem>> -> memref<1x1x4096xi32, #tpu.memory_space<vmem>>
        %dma_start3A_302 = tpu.memref_squeeze %dma_start3A_301 : memref<1x1x4096xi32, #tpu.memory_space<vmem>> -> memref<1x4096xi32, #tpu.memory_space<vmem>>
        %dma_start3A_303 = arith.constant 0 : i32
        %dma_start3A_304 = arith.constant 0 : i32
        %dma_start3A_305 = tpu.memref_slice %arg3[%select_n3A_138, %dma_start3A_303, %dma_start3A_304] : memref<26x1x4096xi32, #tpu.memory_space<hbm>> -> memref<1x1x4096xi32, #tpu.memory_space<hbm>>
        %dma_start3A_306 = tpu.memref_squeeze %dma_start3A_305 : memref<1x1x4096xi32, #tpu.memory_space<hbm>> -> memref<1x4096xi32, #tpu.memory_space<hbm>>
        %dma_start3A_307 = arith.constant 0 : i32
        %dma_start3A_308 = arith.constant 0 : i32
        %dma_start3A_309 = tpu.memref_slice %arg8[%rem3A_298, %dma_start3A_307, %dma_start3A_308] : memref<2x1x4096xi32, #tpu.memory_space<vmem>> -> memref<1x1x4096xi32, #tpu.memory_space<vmem>>
        %dma_start3A_310 = tpu.memref_squeeze %dma_start3A_309 : memref<1x1x4096xi32, #tpu.memory_space<vmem>> -> memref<1x4096xi32, #tpu.memory_space<vmem>>
        %dma_start3A_311 = arith.constant 0 : i32
        %dma_start3A_312 = arith.constant 0 : i32
        %dma_start3A_313 = tpu.memref_slice %arg3[%select_n3A_138, %dma_start3A_311, %dma_start3A_312] : memref<26x1x4096xi32, #tpu.memory_space<hbm>> -> memref<1x1x4096xi32, #tpu.memory_space<hbm>>
        %dma_start3A_314 = tpu.memref_squeeze %dma_start3A_313 : memref<1x1x4096xi32, #tpu.memory_space<hbm>> -> memref<1x4096xi32, #tpu.memory_space<hbm>>
        tpu.enqueue_dma source(%dma_start3A_314 : memref<1x4096xi32, #tpu.memory_space<hbm>>) target(%dma_start3A_310 : memref<1x4096xi32, #tpu.memory_space<vmem>>) target_semaphore(%arg12 : memref<!tpu.dma_semaphore, #tpu.memory_space<semaphore_mem>>)
        %dma_start3A_315 = arith.constant 0 : i32
        %dma_start3A_316 = arith.constant 0 : i32
        %dma_start3A_317 = tpu.memref_slice %arg9[%rem3A_298, %dma_start3A_315, %dma_start3A_316] : memref<2x1x4096xi32, #tpu.memory_space<vmem>> -> memref<1x1x4096xi32, #tpu.memory_space<vmem>>
        %dma_start3A_318 = tpu.memref_squeeze %dma_start3A_317 : memref<1x1x4096xi32, #tpu.memory_space<vmem>> -> memref<1x4096xi32, #tpu.memory_space<vmem>>
        %dma_start3A_319 = arith.constant 0 : i32
        %dma_start3A_320 = arith.constant 0 : i32
        %dma_start3A_321 = tpu.memref_slice %arg3[%select_n3A_141, %dma_start3A_319, %dma_start3A_320] : memref<26x1x4096xi32, #tpu.memory_space<hbm>> -> memref<1x1x4096xi32, #tpu.memory_space<hbm>>
        %dma_start3A_322 = tpu.memref_squeeze %dma_start3A_321 : memref<1x1x4096xi32, #tpu.memory_space<hbm>> -> memref<1x4096xi32, #tpu.memory_space<hbm>>
        %dma_start3A_323 = arith.constant 0 : i32
        %dma_start3A_324 = arith.constant 0 : i32
        %dma_start3A_325 = tpu.memref_slice %arg9[%rem3A_298, %dma_start3A_323, %dma_start3A_324] : memref<2x1x4096xi32, #tpu.memory_space<vmem>> -> memref<1x1x4096xi32, #tpu.memory_space<vmem>>
        %dma_start3A_326 = tpu.memref_squeeze %dma_start3A_325 : memref<1x1x4096xi32, #tpu.memory_space<vmem>> -> memref<1x4096xi32, #tpu.memory_space<vmem>>
        %dma_start3A_327 = arith.constant 0 : i32
        %dma_start3A_328 = arith.constant 0 : i32
        %dma_start3A_329 = tpu.memref_slice %arg3[%select_n3A_141, %dma_start3A_327, %dma_start3A_328] : memref<26x1x4096xi32, #tpu.memory_space<hbm>> -> memref<1x1x4096xi32, #tpu.memory_space<hbm>>
        %dma_start3A_330 = tpu.memref_squeeze %dma_start3A_329 : memref<1x1x4096xi32, #tpu.memory_space<hbm>> -> memref<1x4096xi32, #tpu.memory_space<hbm>>
        tpu.enqueue_dma source(%dma_start3A_330 : memref<1x4096xi32, #tpu.memory_space<hbm>>) target(%dma_start3A_326 : memref<1x4096xi32, #tpu.memory_space<vmem>>) target_semaphore(%arg12 : memref<!tpu.dma_semaphore, #tpu.memory_space<semaphore_mem>>)
      } else {
      }
      %mul3A_223 = arith.constant 8 : i32
      %mul3A_224 = arith.muli %while3A_118, %mul3A_223 : i32
      %multiple_of3A_225 = tpu.assume_multiple %mul3A_224, 8 : i32
      %mul3A_226 = arith.constant 4000 : i32
      %mul3A_227 = arith.muli %while3A_116, %mul3A_226 : i32
      %not3A_228 = arith.constant 127 : i32
      %not3A_229 = arith.constant -1 : i32
      %not3A_230 = arith.xori %not3A_228, %not3A_229 : i32
      %and3A_231 = arith.andi %mul3A_227, %not3A_230 : i32
      %multiple_of3A_232 = tpu.assume_multiple %and3A_231, 128 : i32
      %dma_wait3A_233 = tpu.memref_slice %arg2[%while3A_115, %multiple_of3A_225, %multiple_of3A_232] : memref<26x16x104000xf32, #tpu.memory_space<hbm>> -> memref<1x8x4096xf32, #tpu.memory_space<hbm>>
      %dma_wait3A_234 = tpu.memref_squeeze %dma_wait3A_233 : memref<1x8x4096xf32, #tpu.memory_space<hbm>> -> memref<8x4096xf32, #tpu.memory_space<hbm>>
      %dma_wait3A_235 = tpu.memref_slice %arg2[%while3A_115, %multiple_of3A_225, %multiple_of3A_232] : memref<26x16x104000xf32, #tpu.memory_space<hbm>> -> memref<1x8x4096xf32, #tpu.memory_space<hbm>>
      %dma_wait3A_236 = tpu.memref_squeeze %dma_wait3A_235 : memref<1x8x4096xf32, #tpu.memory_space<hbm>> -> memref<8x4096xf32, #tpu.memory_space<hbm>>
      tpu.wait_dma2 semaphore(%arg11 : memref<!tpu.dma_semaphore, #tpu.memory_space<semaphore_mem>>) src(%dma_wait3A_236 : memref<8x4096xf32, #tpu.memory_space<hbm>>) dst(%arg6 : memref<8x4096xf32, #tpu.memory_space<vmem>>)
      %mul3A_237 = arith.constant 4000 : i32
      %mul3A_238 = arith.muli %while3A_116, %mul3A_237 : i32
      %mul3A_239 = arith.constant 4000 : i32
      %mul3A_240 = arith.muli %while3A_116, %mul3A_239 : i32
      %not3A_241 = arith.constant 127 : i32
      %not3A_242 = arith.constant -1 : i32
      %not3A_243 = arith.xori %not3A_241, %not3A_242 : i32
      %and3A_244 = arith.andi %mul3A_240, %not3A_243 : i32
      %multiple_of3A_245 = tpu.assume_multiple %and3A_244, 128 : i32
      %sub3A_246 = arith.subi %mul3A_238, %multiple_of3A_245 : i32
      %broadcast_in_dim3A_247 = arith.constant 0 : i32
      %broadcast_in_dim3A_248 = vector.broadcast %broadcast_in_dim3A_247 : i32 to vector<16xi32>
      %broadcast_in_dim3A_249 = arith.constant 1 : i32
      %broadcast_in_dim3A_250 = vector.broadcast %broadcast_in_dim3A_249 : i32 to vector<16xi32>
      %broadcast_in_dim3A_251 = arith.constant 2 : i32
      %broadcast_in_dim3A_252 = vector.broadcast %broadcast_in_dim3A_251 : i32 to vector<16xi32>
      %broadcast_in_dim3A_253 = arith.constant 3 : i32
      %broadcast_in_dim3A_254 = vector.broadcast %broadcast_in_dim3A_253 : i32 to vector<16xi32>
      %broadcast_in_dim3A_255 = arith.constant 4 : i32
      %broadcast_in_dim3A_256 = vector.broadcast %broadcast_in_dim3A_255 : i32 to vector<16xi32>
      %broadcast_in_dim3A_257 = arith.constant 5 : i32
      %broadcast_in_dim3A_258 = vector.broadcast %broadcast_in_dim3A_257 : i32 to vector<16xi32>
      %broadcast_in_dim3A_259 = arith.constant 6 : i32
      %broadcast_in_dim3A_260 = vector.broadcast %broadcast_in_dim3A_259 : i32 to vector<16xi32>
      %broadcast_in_dim3A_261 = arith.constant 7 : i32
      %broadcast_in_dim3A_262 = vector.broadcast %broadcast_in_dim3A_261 : i32 to vector<16xi32>
      %parallel_loop3A_263 = arith.constant 0 : i32
      %parallel_loop3A_264 = arith.constant 256 : i32
      %parallel_loop3A_265 = arith.constant 1 : i32
      scf.for %parallel_loop3A_281 = %parallel_loop3A_263 to %parallel_loop3A_264 step %parallel_loop3A_265  : i32 {
        %parallel_loop3A_282 = arith.constant 16 : i32
        %parallel_loop3A_283 = arith.muli %parallel_loop3A_281, %parallel_loop3A_282 : i32
        %parallel_loop3A_284 = arith.constant 0 : i32
        %parallel_loop3A_285 = arith.index_cast %rem3A_121 : i32 to index
        %parallel_loop3A_286 = arith.index_cast %parallel_loop3A_284 : i32 to index
        %parallel_loop3A_287 = arith.index_cast %parallel_loop3A_283 : i32 to index
        %parallel_loop3A_288 = tpu.vector_load %arg9[%parallel_loop3A_285, %parallel_loop3A_286, %parallel_loop3A_287] {strides = array<i32>} : memref<2x1x4096xi32, #tpu.memory_space<vmem>>, vector<16xi32>,
        %parallel_loop3A_289 = vector.broadcast %sub3A_246 : i32 to vector<16xi32>
        %parallel_loop3A_290 = arith.addi %parallel_loop3A_288, %parallel_loop3A_289 : vector<16xi32>
        %parallel_loop3A_291 = arith.constant 16 : i32
        %parallel_loop3A_292 = arith.muli %parallel_loop3A_281, %parallel_loop3A_291 : i32
        %parallel_loop3A_293 = arith.constant 0 : i32
        %parallel_loop3A_294 = arith.index_cast %parallel_loop3A_293 : i32 to index
        %parallel_loop3A_295 = arith.index_cast %parallel_loop3A_292 : i32 to index
        %parallel_loop3A_296 = tpu.vector_load %arg7[%parallel_loop3A_294, %parallel_loop3A_295] {strides = array<i32>} : memref<8x4096xf32, #tpu.memory_space<vmem>>, vector<16xf32>,
        %parallel_loop3A_297 = tpu.vector_load_idx %arg6[%broadcast_in_dim3A_248, %parallel_loop3A_290] : memref<8x4096xf32, #tpu.memory_space<vmem>>[vector<16xi32>, vector<16xi32>], vector<16xf32>,
        %parallel_loop3A_298 = arith.mulf %parallel_loop3A_296, %parallel_loop3A_297 : vector<16xf32>
        %parallel_loop3A_299 = arith.constant 0 : i32
        %parallel_loop3A_300 = arith.index_cast %parallel_loop3A_299 : i32 to index
        %parallel_loop3A_301 = arith.index_cast %parallel_loop3A_292 : i32 to index
        %parallel_loop3A_302 = tpu.vector_load %arg7[%parallel_loop3A_300, %parallel_loop3A_301] {strides = array<i32>} : memref<8x4096xf32, #tpu.memory_space<vmem>>, vector<16xf32>,
        tpu.vector_store %arg7[%parallel_loop3A_300, %parallel_loop3A_301], %parallel_loop3A_298 {strides = array<i32>} : memref<8x4096xf32, #tpu.memory_space<vmem>>, vector<16xf32>,
        %parallel_loop3A_303 = arith.constant 16 : i32
        %parallel_loop3A_304 = arith.muli %parallel_loop3A_281, %parallel_loop3A_303 : i32
        %parallel_loop3A_305 = arith.constant 1 : i32
        %parallel_loop3A_306 = arith.index_cast %parallel_loop3A_305 : i32 to index
        %parallel_loop3A_307 = arith.index_cast %parallel_loop3A_304 : i32 to index
        %parallel_loop3A_308 = tpu.vector_load %arg7[%parallel_loop3A_306, %parallel_loop3A_307] {strides = array<i32>} : memref<8x4096xf32, #tpu.memory_space<vmem>>, vector<16xf32>,
        %parallel_loop3A_309 = tpu.vector_load_idx %arg6[%broadcast_in_dim3A_250, %parallel_loop3A_290] : memref<8x4096xf32, #tpu.memory_space<vmem>>[vector<16xi32>, vector<16xi32>], vector<16xf32>,
        %parallel_loop3A_310 = arith.mulf %parallel_loop3A_308, %parallel_loop3A_309 : vector<16xf32>
        %parallel_loop3A_311 = arith.constant 1 : i32
        %parallel_loop3A_312 = arith.index_cast %parallel_loop3A_311 : i32 to index
        %parallel_loop3A_313 = arith.index_cast %parallel_loop3A_304 : i32 to index
        %parallel_loop3A_314 = tpu.vector_load %arg7[%parallel_loop3A_312, %parallel_loop3A_313] {strides = array<i32>} : memref<8x4096xf32, #tpu.memory_space<vmem>>, vector<16xf32>,
        tpu.vector_store %arg7[%parallel_loop3A_312, %parallel_loop3A_313], %parallel_loop3A_310 {strides = array<i32>} : memref<8x4096xf32, #tpu.memory_space<vmem>>, vector<16xf32>,
        %parallel_loop3A_315 = arith.constant 16 : i32
        %parallel_loop3A_316 = arith.muli %parallel_loop3A_281, %parallel_loop3A_315 : i32
        %parallel_loop3A_317 = arith.constant 2 : i32
        %parallel_loop3A_318 = arith.index_cast %parallel_loop3A_317 : i32 to index
        %parallel_loop3A_319 = arith.index_cast %parallel_loop3A_316 : i32 to index
        %parallel_loop3A_320 = tpu.vector_load %arg7[%parallel_loop3A_318, %parallel_loop3A_319] {strides = array<i32>} : memref<8x4096xf32, #tpu.memory_space<vmem>>, vector<16xf32>,
        %parallel_loop3A_321 = tpu.vector_load_idx %arg6[%broadcast_in_dim3A_252, %parallel_loop3A_290] : memref<8x4096xf32, #tpu.memory_space<vmem>>[vector<16xi32>, vector<16xi32>], vector<16xf32>,
        %parallel_loop3A_322 = arith.mulf %parallel_loop3A_320, %parallel_loop3A_321 : vector<16xf32>
        %parallel_loop3A_323 = arith.constant 2 : i32
        %parallel_loop3A_324 = arith.index_cast %parallel_loop3A_323 : i32 to index
        %parallel_loop3A_325 = arith.index_cast %parallel_loop3A_316 : i32 to index
        %parallel_loop3A_326 = tpu.vector_load %arg7[%parallel_loop3A_324, %parallel_loop3A_325] {strides = array<i32>} : memref<8x4096xf32, #tpu.memory_space<vmem>>, vector<16xf32>,
        tpu.vector_store %arg7[%parallel_loop3A_324, %parallel_loop3A_325], %parallel_loop3A_322 {strides = array<i32>} : memref<8x4096xf32, #tpu.memory_space<vmem>>, vector<16xf32>,
        %parallel_loop3A_327 = arith.constant 16 : i32
        %parallel_loop3A_328 = arith.muli %parallel_loop3A_281, %parallel_loop3A_327 : i32
        %parallel_loop3A_329 = arith.constant 3 : i32
        %parallel_loop3A_330 = arith.index_cast %parallel_loop3A_329 : i32 to index
        %parallel_loop3A_331 = arith.index_cast %parallel_loop3A_328 : i32 to index
        %parallel_loop3A_332 = tpu.vector_load %arg7[%parallel_loop3A_330, %parallel_loop3A_331] {strides = array<i32>} : memref<8x4096xf32, #tpu.memory_space<vmem>>, vector<16xf32>,
        %parallel_loop3A_333 = tpu.vector_load_idx %arg6[%broadcast_in_dim3A_254, %parallel_loop3A_290] : memref<8x4096xf32, #tpu.memory_space<vmem>>[vector<16xi32>, vector<16xi32>], vector<16xf32>,
        %parallel_loop3A_334 = arith.mulf %parallel_loop3A_332, %parallel_loop3A_333 : vector<16xf32>
        %parallel_loop3A_335 = arith.constant 3 : i32
        %parallel_loop3A_336 = arith.index_cast %parallel_loop3A_335 : i32 to index
        %parallel_loop3A_337 = arith.index_cast %parallel_loop3A_328 : i32 to index
        %parallel_loop3A_338 = tpu.vector_load %arg7[%parallel_loop3A_336, %parallel_loop3A_337] {strides = array<i32>} : memref<8x4096xf32, #tpu.memory_space<vmem>>, vector<16xf32>,
        tpu.vector_store %arg7[%parallel_loop3A_336, %parallel_loop3A_337], %parallel_loop3A_334 {strides = array<i32>} : memref<8x4096xf32, #tpu.memory_space<vmem>>, vector<16xf32>,
        %parallel_loop3A_339 = arith.constant 16 : i32
        %parallel_loop3A_340 = arith.muli %parallel_loop3A_281, %parallel_loop3A_339 : i32
        %parallel_loop3A_341 = arith.constant 4 : i32
        %parallel_loop3A_342 = arith.index_cast %parallel_loop3A_341 : i32 to index
        %parallel_loop3A_343 = arith.index_cast %parallel_loop3A_340 : i32 to index
        %parallel_loop3A_344 = tpu.vector_load %arg7[%parallel_loop3A_342, %parallel_loop3A_343] {strides = array<i32>} : memref<8x4096xf32, #tpu.memory_space<vmem>>, vector<16xf32>,
        %parallel_loop3A_345 = tpu.vector_load_idx %arg6[%broadcast_in_dim3A_256, %parallel_loop3A_290] : memref<8x4096xf32, #tpu.memory_space<vmem>>[vector<16xi32>, vector<16xi32>], vector<16xf32>,
        %parallel_loop3A_346 = arith.mulf %parallel_loop3A_344, %parallel_loop3A_345 : vector<16xf32>
        %parallel_loop3A_347 = arith.constant 4 : i32
        %parallel_loop3A_348 = arith.index_cast %parallel_loop3A_347 : i32 to index
        %parallel_loop3A_349 = arith.index_cast %parallel_loop3A_340 : i32 to index
        %parallel_loop3A_350 = tpu.vector_load %arg7[%parallel_loop3A_348, %parallel_loop3A_349] {strides = array<i32>} : memref<8x4096xf32, #tpu.memory_space<vmem>>, vector<16xf32>,
        tpu.vector_store %arg7[%parallel_loop3A_348, %parallel_loop3A_349], %parallel_loop3A_346 {strides = array<i32>} : memref<8x4096xf32, #tpu.memory_space<vmem>>, vector<16xf32>,
        %parallel_loop3A_351 = arith.constant 16 : i32
        %parallel_loop3A_352 = arith.muli %parallel_loop3A_281, %parallel_loop3A_351 : i32
        %parallel_loop3A_353 = arith.constant 5 : i32
        %parallel_loop3A_354 = arith.index_cast %parallel_loop3A_353 : i32 to index
        %parallel_loop3A_355 = arith.index_cast %parallel_loop3A_352 : i32 to index
        %parallel_loop3A_356 = tpu.vector_load %arg7[%parallel_loop3A_354, %parallel_loop3A_355] {strides = array<i32>} : memref<8x4096xf32, #tpu.memory_space<vmem>>, vector<16xf32>,
        %parallel_loop3A_357 = tpu.vector_load_idx %arg6[%broadcast_in_dim3A_258, %parallel_loop3A_290] : memref<8x4096xf32, #tpu.memory_space<vmem>>[vector<16xi32>, vector<16xi32>], vector<16xf32>,
        %parallel_loop3A_358 = arith.mulf %parallel_loop3A_356, %parallel_loop3A_357 : vector<16xf32>
        %parallel_loop3A_359 = arith.constant 5 : i32
        %parallel_loop3A_360 = arith.index_cast %parallel_loop3A_359 : i32 to index
        %parallel_loop3A_361 = arith.index_cast %parallel_loop3A_352 : i32 to index
        %parallel_loop3A_362 = tpu.vector_load %arg7[%parallel_loop3A_360, %parallel_loop3A_361] {strides = array<i32>} : memref<8x4096xf32, #tpu.memory_space<vmem>>, vector<16xf32>,
        tpu.vector_store %arg7[%parallel_loop3A_360, %parallel_loop3A_361], %parallel_loop3A_358 {strides = array<i32>} : memref<8x4096xf32, #tpu.memory_space<vmem>>, vector<16xf32>,
        %parallel_loop3A_363 = arith.constant 16 : i32
        %parallel_loop3A_364 = arith.muli %parallel_loop3A_281, %parallel_loop3A_363 : i32
        %parallel_loop3A_365 = arith.constant 6 : i32
        %parallel_loop3A_366 = arith.index_cast %parallel_loop3A_365 : i32 to index
        %parallel_loop3A_367 = arith.index_cast %parallel_loop3A_364 : i32 to index
        %parallel_loop3A_368 = tpu.vector_load %arg7[%parallel_loop3A_366, %parallel_loop3A_367] {strides = array<i32>} : memref<8x4096xf32, #tpu.memory_space<vmem>>, vector<16xf32>,
        %parallel_loop3A_369 = tpu.vector_load_idx %arg6[%broadcast_in_dim3A_260, %parallel_loop3A_290] : memref<8x4096xf32, #tpu.memory_space<vmem>>[vector<16xi32>, vector<16xi32>], vector<16xf32>,
        %parallel_loop3A_370 = arith.mulf %parallel_loop3A_368, %parallel_loop3A_369 : vector<16xf32>
        %parallel_loop3A_371 = arith.constant 6 : i32
        %parallel_loop3A_372 = arith.index_cast %parallel_loop3A_371 : i32 to index
        %parallel_loop3A_373 = arith.index_cast %parallel_loop3A_364 : i32 to index
        %parallel_loop3A_374 = tpu.vector_load %arg7[%parallel_loop3A_372, %parallel_loop3A_373] {strides = array<i32>} : memref<8x4096xf32, #tpu.memory_space<vmem>>, vector<16xf32>,
        tpu.vector_store %arg7[%parallel_loop3A_372, %parallel_loop3A_373], %parallel_loop3A_370 {strides = array<i32>} : memref<8x4096xf32, #tpu.memory_space<vmem>>, vector<16xf32>,
        %parallel_loop3A_375 = arith.constant 16 : i32
        %parallel_loop3A_376 = arith.muli %parallel_loop3A_281, %parallel_loop3A_375 : i32
        %parallel_loop3A_377 = arith.constant 7 : i32
        %parallel_loop3A_378 = arith.index_cast %parallel_loop3A_377 : i32 to index
        %parallel_loop3A_379 = arith.index_cast %parallel_loop3A_376 : i32 to index
        %parallel_loop3A_380 = tpu.vector_load %arg7[%parallel_loop3A_378, %parallel_loop3A_379] {strides = array<i32>} : memref<8x4096xf32, #tpu.memory_space<vmem>>, vector<16xf32>,
        %parallel_loop3A_381 = tpu.vector_load_idx %arg6[%broadcast_in_dim3A_262, %parallel_loop3A_290] : memref<8x4096xf32, #tpu.memory_space<vmem>>[vector<16xi32>, vector<16xi32>], vector<16xf32>,
        %parallel_loop3A_382 = arith.mulf %parallel_loop3A_380, %parallel_loop3A_381 : vector<16xf32>
        %parallel_loop3A_383 = arith.constant 7 : i32
        %parallel_loop3A_384 = arith.index_cast %parallel_loop3A_383 : i32 to index
        %parallel_loop3A_385 = arith.index_cast %parallel_loop3A_376 : i32 to index
        %parallel_loop3A_386 = tpu.vector_load %arg7[%parallel_loop3A_384, %parallel_loop3A_385] {strides = array<i32>} : memref<8x4096xf32, #tpu.memory_space<vmem>>, vector<16xf32>,
        tpu.vector_store %arg7[%parallel_loop3A_384, %parallel_loop3A_385], %parallel_loop3A_382 {strides = array<i32>} : memref<8x4096xf32, #tpu.memory_space<vmem>>, vector<16xf32>,
      } {sc.loop_unroll_factor = 2 : i64, sc.parallel_access}
      %mul3A_266 = arith.constant 8 : i32
      %mul3A_267 = arith.muli %while3A_118, %mul3A_266 : i32
      %multiple_of3A_268 = tpu.assume_multiple %mul3A_267, 8 : i32
      %dma_start3A_269 = arith.constant 0 : i32
      %dma_start3A_270 = tpu.memref_slice %arg4[%while3A_117, %multiple_of3A_268, %dma_start3A_269] : memref<325x16x4096xf32, #tpu.memory_space<hbm>> -> memref<1x8x4096xf32, #tpu.memory_space<hbm>>
      %dma_start3A_271 = tpu.memref_squeeze %dma_start3A_270 : memref<1x8x4096xf32, #tpu.memory_space<hbm>> -> memref<8x4096xf32, #tpu.memory_space<hbm>>
      %dma_start3A_272 = arith.constant 0 : i32
      %dma_start3A_273 = tpu.memref_slice %arg4[%while3A_117, %multiple_of3A_268, %dma_start3A_272] : memref<325x16x4096xf32, #tpu.memory_space<hbm>> -> memref<1x8x4096xf32, #tpu.memory_space<hbm>>
      %dma_start3A_274 = tpu.memref_squeeze %dma_start3A_273 : memref<1x8x4096xf32, #tpu.memory_space<hbm>> -> memref<8x4096xf32, #tpu.memory_space<hbm>>
      tpu.enqueue_dma source(%arg7 : memref<8x4096xf32, #tpu.memory_space<vmem>>) target(%dma_start3A_274 : memref<8x4096xf32, #tpu.memory_space<hbm>>) target_semaphore(%arg13 : memref<!tpu.dma_semaphore, #tpu.memory_space<semaphore_mem>>)
      %add3A_275 = arith.constant 1 : i32
      %add3A_276 = arith.addi %while3A_114, %add3A_275 : i32
      %lt3A_277 = arith.cmpi slt, %add3A_276, %select_n3A : i32
      %convert_element_type3A_278 = arith.extui %lt3A_277 : i1 to i32
      %cond3A_279 = arith.constant 0 : i32
      %cond3A_280 = arith.cmpi ne, %convert_element_type3A_278, %cond3A_279 : i32
      scf.if %cond3A_280 {
        %mul3A_281 = arith.constant 8 : i32
        %mul3A_282 = arith.muli %select_n3A_126, %mul3A_281 : i32
        %multiple_of3A_283 = tpu.assume_multiple %mul3A_282, 8 : i32
        %mul3A_284 = arith.constant 4000 : i32
        %mul3A_285 = arith.muli %select_n3A_141, %mul3A_284 : i32
        %not3A_286 = arith.constant 127 : i32
        %not3A_287 = arith.constant -1 : i32
        %not3A_288 = arith.xori %not3A_286, %not3A_287 : i32
        %and3A_289 = arith.andi %mul3A_285, %not3A_288 : i32
        %multiple_of3A_290 = tpu.assume_multiple %and3A_289, 128 : i32
        %dma_start3A_291 = tpu.memref_slice %arg2[%select_n3A_138, %multiple_of3A_283, %multiple_of3A_290] : memref<26x16x104000xf32, #tpu.memory_space<hbm>> -> memref<1x8x4096xf32, #tpu.memory_space<hbm>>
        %dma_start3A_292 = tpu.memref_squeeze %dma_start3A_291 : memref<1x8x4096xf32, #tpu.memory_space<hbm>> -> memref<8x4096xf32, #tpu.memory_space<hbm>>
        %dma_start3A_293 = tpu.memref_slice %arg2[%select_n3A_138, %multiple_of3A_283, %multiple_of3A_290] : memref<26x16x104000xf32, #tpu.memory_space<hbm>> -> memref<1x8x4096xf32, #tpu.memory_space<hbm>>
        %dma_start3A_294 = tpu.memref_squeeze %dma_start3A_293 : memref<1x8x4096xf32, #tpu.memory_space<hbm>> -> memref<8x4096xf32, #tpu.memory_space<hbm>>
        tpu.enqueue_dma source(%dma_start3A_294 : memref<8x4096xf32, #tpu.memory_space<hbm>>) target(%arg6 : memref<8x4096xf32, #tpu.memory_space<vmem>>) target_semaphore(%arg11 : memref<!tpu.dma_semaphore, #tpu.memory_space<semaphore_mem>>)
      } else {
      }
      scf.yield %select_n3A_138, %select_n3A_141, %select_n3A_129, %select_n3A_126 : i32, i32, i32, i32
    }
    %dma_wait3A = arith.constant 0 : i32
    %dma_wait3A_106 = arith.constant 0 : i32
    %dma_wait3A_107 = arith.constant 0 : i32
    %dma_wait3A_108 = tpu.memref_slice %arg4[%dma_wait3A, %dma_wait3A_106, %dma_wait3A_107] : memref<325x16x4096xf32, #tpu.memory_space<hbm>> -> memref<1x8x4096xf32, #tpu.memory_space<hbm>>
    %dma_wait3A_109 = tpu.memref_squeeze %dma_wait3A_108 : memref<1x8x4096xf32, #tpu.memory_space<hbm>> -> memref<8x4096xf32, #tpu.memory_space<hbm>>
    %dma_wait3A_110 = arith.constant 0 : i32
    %dma_wait3A_111 = arith.constant 0 : i32
    %dma_wait3A_112 = tpu.memref_slice %arg4[%dma_wait3A, %dma_wait3A_110, %dma_wait3A_111] : memref<325x16x4096xf32, #tpu.memory_space<hbm>> -> memref<1x8x4096xf32, #tpu.memory_space<hbm>>
    %dma_wait3A_113 = tpu.memref_squeeze %dma_wait3A_112 : memref<1x8x4096xf32, #tpu.memory_space<hbm>> -> memref<8x4096xf32, #tpu.memory_space<hbm>>
    tpu.wait_dma2 semaphore(%arg13 : memref<!tpu.dma_semaphore, #tpu.memory_space<semaphore_mem>>) src(%arg7 : memref<8x4096xf32, #tpu.memory_space<vmem>>) dst(%dma_wait3A_113 : memref<8x4096xf32, #tpu.memory_space<hbm>>)
    return
  }
}

</mosaic_0001>

<sc_bundles>
// kernel: kernel.3.cloned.1.call-start
scs
__scs_entry_jumppad:
0x0: {  	(pc) =	sbr.rel $0x88, $3  }
0x1: {  	(tag) =	ssettag $0x0;
	lr =	simm.s32 $0x1  }
0x2: {  	[smem:$0x3F9F] =	sst lr;
	_ =	strace $0xD0000000  }
0x3: {  	_ = 	snop  }
0x4: {  	_ = 	snop  }
0x5: {  	_ = 	snop  }
0x6: {  	_ = 	snop  }
0x7: {  	_ = 	snop  }
__scs_overlays_trampoline_lowered:
0x8: {  	[smem:$0x3FAE] =	sst s0  }
0x9: {  	[smem:$0x3FAF] =	sst s1  }
0xa: {  	[smem:$0x3FB0] =	sst s2  }
0xb: {  	[smem:$0x3FB1] =	sst s3  }
0xc: {  	[smem:$0x3FB2] =	sst s4  }
0xd: {  	[smem:$0x3FB3] =	sst s5  }
0xe: {  	[smem:$0x3FB4] =	sst s6  }
0xf: {  	[smem:$0x3FB5] =	sst s7  }
0x10: {  	[smem:$0x3FB6] =	sst s8  }
0x11: {  	[smem:$0x3FB7] =	sst s9;
	s0 =	simm.s32 @!p0 $0x0  }
0x12: {  	s1 =	sld [smem:$0x3F9D];
	s0 =	simm.s32 @p0 $0x1  }
0x13: {  	[smem:$0x3FB8] =	sst s0;
	s0 =	simm.s32 @!p1 $0x0  }
0x14: {  	s2 =	sld [smem:$0x3F9C];
	s0 =	simm.s32 @p1 $0x1  }
0x15: {  	[smem:$0x3FB9] =	sst s0;
	s0 =	simm.s32 @!p2 $0x0  }
0x16: {  	s3 =	sld [smem:$0x3FDB];
	s0 =	simm.s32 @p2 $0x1  }
0x17: {  	s4 =	simm.s32 $0x1BF5;
	[smem:$0x3FBB] =	sst s0  }
0x18: {  	s0 =	sld [smem:$0x3F9E];
	_ =	swait.ge [sflag:s4], $0x0  }
0x19: {  	s7 =	sld [smem:$0x3F9F]  }
0x1a: {  	s8 =	sadd.s32 $0xFFFFE003, lr  }
0x1b: {  	s9 =	sadd.s32 $0xFFFFFEF7, lr;
	s5 =	simm.s32 $0xFFFFFFFF;
	p2 =	slt.u32 s8, $0xFFFFF086  }
0x1c: {  	p1 =	slt.u32 s9, $0xF7A;
	s5 =	simm.s32 @!p2 $0x0  }
0x1d: {  	s5 =	simm.s32 @p1 $0x1;
	p0 =	seq.s32 s7, s2  }
0x1e: {  	s7 =	smul.u32 @!p0 $0xF7A, s2;
	p2 =	seq.s32 @!p0 s5, $0x0  }
0x1f: {  	s9 =	smul.u32 $0xF7A, s1;
	s8 =	simm.s32 @!p0 $0x1BF5;
	p2 =	por !p2, p0  }
0x20: {  	[sflag:s8] =	ssyncset.s32 @!p0 $0xFFFFF086;
	s6 =	sadd.s32 @!p0 s3, s7;
	s7 =	simm.s32 @!p0 $0x108  }
0x21: {  	s3 =	sadd.s32 s3, s9;
	s6 =	sadd.s32 @!p0 $0x88, s6;
	s7 =	simm.s32 @p2 $0x1082  }
0x22: {  	[simem:s7], [sflag:s8] =	dma.local @!p0 [hbm:s6], $0xF7A  }
0x23: {  	s9 =	sor.u32 $0xD0000000, s2;
	s6 =	simm.s32 $0x108;
	_ =	swait.ge @!p0 [sflag:s8], $0x0  }
0x24: {  	s3 =	sadd.s32 $0x88, s3;
	s6 =	simm.s32 @!p1 $0x1082;
	[sflag:s4] =	ssyncset.s32 $0xFFFFF086  }
0x25: {  	[simem:s6], [sflag:s4] =	dma.local [hbm:s3], $0xF7A  }
0x26: {  	[smem:$0x3F9F] =	sst s1;
	(tag) =	ssettag s2;
	_ =	strace s9  }
0x27: {  	s1 =	sld [smem:$0x3FAF]  }
0x28: {  	s2 =	sld [smem:$0x3FB0]  }
0x29: {  	s4 =	sld [smem:$0x3FB2]  }
0x2a: {  	p0 =	seq.s32 s5, $0x0;
	s5 =	sld [smem:$0x3FB3]  }
0x2b: {  	s6 =	sld [smem:$0x3FB4]  }
0x2c: {  	s7 =	sld [smem:$0x3FB5]  }
0x2d: {  	s3 =	simm.s32 $0x108;
	s8 =	sld [smem:$0x3FB6]  }
0x2e: {  	s3 =	simm.s32 @!p0 $0x1082;
	s9 =	sld [smem:$0x3FB7]  }
0x2f: {  	lr =	sadd.s32 s0, s3;
	s0 =	sld [smem:$0x3FAE]  }
0x30: {  	s3 =	sld [smem:$0x3FB1]  }
0x31: {  	[smem:$0x3FBA] =	sst s10  }
0x32: {  	s10 =	sld [smem:$0x3FB8];
	_ =	sdelay $0x3  }
0x33: {  	p0 =	seq.s32 s10, $0x1;
	s10 =	sld [smem:$0x3FBA];
	_ =	sdelay $0x3  }
0x34: {  	[smem:$0x3FBA] =	sst s10  }
0x35: {  	s10 =	sld [smem:$0x3FB9];
	_ =	sdelay $0x3  }
0x36: {  	p1 =	seq.s32 s10, $0x1;
	s10 =	sld [smem:$0x3FBA];
	_ =	sdelay $0x3  }
0x37: {  	[smem:$0x3FBA] =	sst s10  }
0x38: {  	s10 =	sld [smem:$0x3FBB]  }
0x39: {  	_ = 	snop;
	(pc) =	sbr.ind lr, $3  }
0x3a: {  	_ = 	snop  }
0x3b: {  	_ = 	snop  }
0x3c: {  	p2 =	seq.s32 s10, $0x1;
	s10 =	sld [smem:$0x3FBA]  }
0x3d: {  	_ =	shalt  }
0x3e: {  	_ =	shalt  }
0x3f: {  	_ =	shalt  }
0x40: {  	_ =	shalt  }
0x41: {  	_ =	shalt  }
0x42: {  	_ =	shalt  }
0x43: {  	_ =	shalt  }
0x44: {  	_ =	shalt  }
0x45: {  	_ =	shalt  }
0x46: {  	_ =	shalt  }
0x47: {  	_ =	shalt  }
0x48: {  	_ =	shalt  }
0x49: {  	_ =	shalt  }
0x4a: {  	_ =	shalt  }
0x4b: {  	_ =	shalt  }
0x4c: {  	_ =	shalt  }
0x4d: {  	_ =	shalt  }
0x4e: {  	_ =	shalt  }
0x4f: {  	_ =	shalt  }
0x50: {  	_ =	shalt  }
0x51: {  	_ =	shalt  }
0x52: {  	_ =	shalt  }
0x53: {  	_ =	shalt  }
0x54: {  	_ =	shalt  }
0x55: {  	_ =	shalt  }
0x56: {  	_ =	shalt  }
0x57: {  	_ =	shalt  }
0x58: {  	_ =	shalt  }
0x59: {  	_ =	shalt  }
0x5a: {  	_ =	shalt  }
0x5b: {  	_ =	shalt  }
0x5c: {  	_ =	shalt  }
0x5d: {  	_ =	shalt  }
0x5e: {  	_ =	shalt  }
0x5f: {  	_ =	shalt  }
0x60: {  	_ =	shalt  }
0x61: {  	_ =	shalt  }
0x62: {  	_ =	shalt  }
0x63: {  	_ =	shalt  }
0x64: {  	_ =	shalt  }
0x65: {  	_ =	shalt  }
0x66: {  	_ =	shalt  }
0x67: {  	_ =	shalt  }
0x68: {  	_ =	shalt  }
0x69: {  	_ =	shalt  }
0x6a: {  	_ =	shalt  }
0x6b: {  	_ =	shalt  }
0x6c: {  	_ =	shalt  }
0x6d: {  	_ =	shalt  }
0x6e: {  	_ =	shalt  }
0x6f: {  	_ =	shalt  }
0x70: {  	_ =	shalt  }
0x71: {  	_ =	shalt  }
0x72: {  	_ =	shalt  }
0x73: {  	_ =	shalt  }
0x74: {  	_ =	shalt  }
0x75: {  	_ =	shalt  }
0x76: {  	_ =	shalt  }
0x77: {  	_ =	shalt  }
0x78: {  	_ =	shalt  }
0x79: {  	_ =	shalt  }
0x7a: {  	_ =	shalt  }
0x7b: {  	_ =	shalt  }
0x7c: {  	_ =	shalt  }
0x7d: {  	_ =	shalt  }
0x7e: {  	_ =	shalt  }
0x7f: {  	_ =	shalt  }
0x80: {  	_ =	shalt  }
0x81: {  	_ =	shalt  }
0x82: {  	_ =	shalt  }
0x83: {  	_ =	shalt  }
0x84: {  	_ =	shalt  }
0x85: {  	_ =	shalt  }
0x86: {  	_ =	shalt  }
0x87: {  	_ =	shalt  }
.Lfunc_end0:
.L_simem_size_0:
called_computation_lowered:
.L_overlay_start_0:
0x88: {  	s2 =	sld [smem:$0x3FD9]  }
0x89: {  	s3 =	sld [smem:$0x3FFE];
	_ =	sdelay $0x1  }
0x8a: {  	s1 =	srdreg.scid  }
0x8b: {  	s0 =	sand.u32 $0x1, s1  }
0x8c: {  	s17 =	sshll.u32 s0, $0xA;
	s2 =	sadd.s32 s3, s2  }
0x8d: {  	s2 =	sadd.s32 s2, s17  }
0x8e: {  	[smem:$0x3FC6] =	sst s2  }
0x8f: {  	_ = 	snop  }
0x90: {  	s2 =	sld [smem:$0x3FC8]  }
0x91: {  	s18 =	sld [smem:$0x3FD0];
	(tm) =	ssettm $0x1  }
0x92: {  	s4 =	sld [smem:$0x3FFB];
	_ =	sdelay $0x3  }
0x93: {  	_ =	strace s4  }
0x94: {  	s4 =	sld [smem:$0x3FFC];
	_ =	sdelay $0x3  }
0x95: {  	_ =	strace s4  }
0x96: {  	s4 =	sld [smem:$0x3FFD];
	_ =	sdelay $0x3  }
0x97: {  	_ =	strace s4  }
0x98: {  	_ =	strace $0x8FFFFFFF  }
0x99: {  	s19 =	sld [smem:$0x3FDB];
	_ =	sdelay $0x1  }
0x9a: {  	s5 =	simm.s32 $_scs_section_size  }
0x9b: {  	s6 =	simm.s32 $_size__tile_overlayer_lowered;
	s7 =	simm.s32 $_tile_overlayer_lowered  }
0x9c: {  	s22 =	simm.s32 $0x1BFF;
	s21 =	sshll.u32 s7, $0x1;
	s4 =	sadd.s32 s5, s19  }
0x9d: {  	s8 =	simm.s32 $0x0;
	s20 =	sshll.u32 s6, $0x1;
	s6 =	sadd.s32 s21, s4  }
0x9e: {  	[timem:s8], [sflag:s22] =	dma.local [hbm:s6], s20  }
0x9f: {  	_ =	swait.ge [sflag:s22], s20  }
0xa0: {  	s5 =	ssub.s32 $0x0, s20;
	[sflag:s22] =	ssyncset.done $0x0  }
0xa1: {  	[sflag:s22] =	ssyncadd.s32 s5;
	_ =	sdelay $0x1  }
0xa2: {  	s23 =	simm.s32 $0x1B8B  }
0xa3: {  	_ =	swait.ge [sflag:s23], $0x1  }
0xa4: {  	[sflag:s23] =	ssyncset.done $0x0  }
0xa5: {  	s25 =	simm.s32 $0x1B8E;
	s24 =	sld [smem:$0x3FFE];
	[sflag:s23] =	ssyncadd.s32 $0xFFFFFFFF  }
0xa6: {  	s26 =	simm.s32 $execute0_lowered;
	[smem:$0x3FD2] =	sst s25  }
0xa7: {  	s6 =	sshll.u32 s26, $0x1;
	_ =	strace $0x80000046;
	[dreg:$0x1] =	wrdreg $0xFFFFFFFF  }
0xa8: {  	s28 =	simm.s32 $_size_execute0_lowered;
	s4 =	sadd.s32 s4, s6;
	[dreg:$0x0] =	wrdreg $0x0  }
0xa9: {  	s6 =	sshll.u32 s28, $0x1;
	[dreg:$0x2] =	wrdreg s4  }
0xaa: {  	[dreg:$0x3] =	wrdreg s6  }
0xab: {  	[dreg:$0x4] =	wrdreg $0xC0  }
0xac: {  	_ =	task [dreg:s8], $0x5FFFF  }
0xad: {  	[dreg:$0x1] =	wrdreg $0xFFFFFFFF  }
0xae: {  	[dreg:$0x0] =	wrdreg $0x60  }
0xaf: {  	[dreg:$0x2] =	wrdreg s2  }
0xb0: {  	[dreg:$0x3] =	wrdreg s24  }
0xb1: {  	[dreg:$0x4] =	wrdreg s18  }
0xb2: {  	[dreg:$0x5] =	wrdreg $0x9  }
0xb3: {  	_ =	task.clear_ibuf [dreg:s8], $0x6FFFF;
	_ =	strace $0x90000046  }
0xb4: {  	s29 =	simm.s32 $0x9;
	_ =	strace $0x80000048  }
0xb5: {  	_ =	swait.ge [sflag:s29], $0x1  }
0xb6: {  	[sflag:s29] =	ssyncadd.s32 $0xFFFFFFFF  }
0xb7: {  	_ =	strace $0x90000048  }
0xb8: {  	_ =	sfence  }
0xb9: {  	s30 =	sld [smem:$0x0];
	_ =	sdelay $0x2  }
0xba: {  	s31 =	sshll.u32 s1, $0xD;
	s1 =	sshrl.u32 s1, $0x2  }
0xbb: {  	s3 =	sand.u32 $0x4000, s31;
	s1 =	sadd.s32 s1, s30  }
0xbc: {  	s0 =	sor.u32 s3, s0;
	s1 =	sshll.u32 s1, $0x11  }
0xbd: {  	s0 =	sor.u32 s1, s0  }
0xbe: {  	s0 =	sadd.s32 $0x8F2B, s0  }
0xbf: {  	[sflag:s0] =	ssyncadd.remote.s32 $0x1  }
0xc0: {  	_ =	sfence.sel $0xFFFF  }
0xc1: {  	[dreg:$0x0] =	wrdreg $0xFFFFFFFF;
	(pc) =	sbr.abs _section_cstart, $3  }
0xc2: {  	[dreg:$0x1] =	wrdreg $0xFFFFFFFF  }
0xc3: {  	_ =	task.clear_ibuf [dreg:s8], $0x2FFFF;
	_ =	strace $0x9FFFFFFF  }
0xc4: {  	(tm) =	ssettm $0x7FFFFFFF  }
0xc5: {  	_ =	shalt  }
tec
execute0_lowered:
.L_overlay_start_1:
0x0: {  	(tag) =	ssettag $0x1  }
0x1: {  	s0 =	srdreg.scid;
	s21 =	rddreg [dreg:$0x0]  }
0x2: {  	s7 =	stileid.u32;
	s2 =	rddreg [dreg:$0x1];
	s4 =	simm.s32 $0x0  }
0x3: {  	s0 =	sand.u32 $0x1, s0;
	s1 =	sshll.u32 s7, $0x1;
	[smem:$0x7FF] =	sst s4  }
0x4: {  	s2 =	sadd.s32 $0x400, s2;
	s1 =	sor.u32 s0, s1;
	_ =	strace $0x80000047  }
0x5: {  	s0 =	ssub.s32 $0x2, s0;
	s3 =	smul.u32 $0x14, s1;
	s1 =	smin.u32 s1, $0xA  }
0x6: {  	[dreg:$0x5] =	wrdreg s2;
	s5 =	sshrl.u32 s0, $0x1;
	s29 =	sand.u32 $0x1, s1  }
0x7: {  	s0 =	ssub.s32 s0, s5;
	s8 =	sadd.s32 s1, s3;
	p1 =	seq.s32 s29, $0x1  }
0x8: {  	s3 =	simm.s32 $0x1;
	s1 =	sshll.u32 s1, $0xC;
	p0 =	seq.s32 s8, $0x0  }
0x9: {  	s0 =	smax.u32 s0, $0x1;
	s6 =	sshrl.u32 s8, $0x1;
	p0 =	por !p0, !p1  }
0xa: {  	[dreg:$0x4] =	wrdreg s8;
	s1 =	sand.u32 $0x1000, s1;
	p0 =	por !p0, !p0  }
0xb: {  	[dreg:$0xc] =	wrdreg s0;
	s31 =	sor.u32 $0x18000, s1;
	s3 =	simm.s32 @!p0 $0x0  }
0xc: {  	s1 =	sor.u32 $0x1A000, s1;
	[dreg:$0xa] =	wrdreg s31;
	s24 =	ssub.s32 s6, s3  }
0xd: {  	s23 =	simm.s32 $0x15;
	[dreg:$0xb] =	wrdreg s1;
	s30 =	sshll.u32 s24, $0x1  }
0xe: {  	p0 =	slt.u32 s7, $0x5;
	[dreg:$0x6] =	wrdreg s24;
	s2 =	ssub.s32 s8, s30  }
0xf: {  	s23 =	simm.s32 @!p0 $0x14;
	[dreg:$0x8] =	wrdreg s2;
	s2 =	smul.u32 $0xCB400, s2  }
0x10: {  	[dreg:$0x7] =	wrdreg s23  }
0x11: {  	s15 =	simm.s32 $0x8000;
	[dreg:$0x9] =	wrdreg s2;
	s2 =	simm.s32 $0x0  }
.LBB2_1:
0x12: {  	[dreg:$0xd] =	wrdreg s2;
	s0 =	simm.s32 $0x19;
	s1 =	simm.s32 $0x19  }
0x13: {  	p0 =	sge.s32 s24, $0x19;
	s5 =	simm.s32 $0x1;
	s2 =	simm.s32 $0x0  }
0x14: {  	s3 =	smov.u32 s24;
	s5 =	simm.s32 @!p0 $0x0;
	s1 =	simm.s32 @!p0 $0x0  }
.LBB2_2:
0x15: {  	p0 =	sne.s32 s0, $0x1;
	s2 =	sadd.s32 s5, s2;
	s3 =	ssub.s32 s3, s1  }
.Ltmp0:
0x16: {  	s0 =	sadd.s32 $0xFFFFFFFF, s0;
	(pc) =	sbr.rel @p0 .LBB2_2-.Ltmp0, $4  }
0x17: {  	_ = 	snop  }
0x18: {  	s1 =	ssub.s32 $0x19, s2  }
0x19: {  	s5 =	simm.s32 $0x1;
	p1 =	sge.s32 s3, s1  }
0x1a: {  	s5 =	simm.s32 @!p1 $0x0;
	s1 =	simm.s32 @!p1 $0x0  }
0x1b: {  	s25 =	sadd.s32 s5, s2;
	s0 =	ssub.s32 s3, s1  }
0x1c: {  	s0 =	sadd.s32 s0, s25;
	s14 =	smul.u32 $0x7D00, s25  }
0x1d: {  	s31 =	sadd.s32 $0x1, s0  }
0x1e: {  	s16 =	rddreg [dreg:$0x9];
	s0 =	smul.u32 $0x196800, s31;
	s1 =	sand.u32 $0xFFFFFC00, s14  }
0x1f: {  	s17 =	smul.u32 $0x196800, s25;
	s1 =	sadd.s32 s16, s1  }
0x20: {  	s19 =	smul.u32 $0x7D00, s31;
	s0 =	sadd.s32 s0, s1  }
0x21: {  	s18 =	simm.s32 $0x0;
	s0 =	sshrl.u32 s0, $0x3  }
0x22: {  	s20 =	sadd.s32 s16, s17;
	s22 =	sand.u32 $0xFFFFFC00, s19;
	s0 =	sadd.s32 s21, s0  }
0x23: {  	[tilespmem:s18], [sflag:$0x1] =	stream.linear.gather [hbm4b:s0+s18], $0x8000, $0x38;
	[tilespmem:$0x1C000] =	vst v63  }
0x24: {  	s0 =	sadd.s32 s22, s20  }
0x25: {  	s0 =	sshrl.u32 s0, $0x3  }
0x26: {  	s23 =	sshll.u32 s25, $0x9;
	s0 =	sadd.s32 s21, s0  }
0x27: {  	[tilespmem:s15], [sflag:$0x2] =	stream.linear.gather [hbm4b:s0+s18], $0x8000, $0x38;
	[tilespmem:$0x1C000] =	vst v63  }
0x28: {  	s26 =	rddreg [dreg:$0x5];
	s0 =	sand.u32 $0x1FFFFE00, s23  }
0x29: {  	s28 =	rddreg [dreg:$0xa];
	s29 =	sshll.u32 s31, $0x9;
	s0 =	sadd.s32 s26, s0  }
0x2a: {  	[tilespmem:s28], [sflag:$0x3] =	stream.linear.gather [hbm4b:s0+s18], $0x1000, $0x38;
	[tilespmem:$0x1C000] =	vst v63  }
0x2b: {  	s30 =	rddreg [dreg:$0xb];
	s0 =	sand.u32 $0x1FFFFE00, s29  }
0x2c: {  	s22 =	simm.s32 $0x0;
	s0 =	sadd.s32 s26, s0;
	s26 =	rddreg [dreg:$0x8]  }
0x2d: {  	[tilespmem:s30], [sflag:$0x3] =	stream.linear.gather [hbm4b:s0+s18], $0x1000, $0x38;
	[tilespmem:$0x1C000] =	vst v63  }
.LBB2_4:
0x2e: {  	s0 =	simm.s32 $0x1  }
0x2f: {  	_ =	swait.ge [sflag:s0], $0x8000  }
0x30: {  	[sflag:s0] =	ssyncset.done $0x0  }
0x31: {  	s2 =	simm.s32 $0x3;
	[sflag:s0] =	ssyncadd.s32 $0xFFFF8000  }
0x32: {  	_ =	swait.ge [sflag:s2], $0x1000  }
0x33: {  	[sflag:s2] =	ssyncset.done $0x0;
	s13 =	rddreg [dreg:$0x4]  }
0x34: {  	p0 =	seq.s32 s22, $0x0;
	[sflag:s2] =	ssyncadd.s32 $0xFFFFF000;
	s0 =	sadd.s32 s13, s22  }
0x35: {  	s16 =	simm.s32 $0x0;
	_ =	swait.ge [sflag:s2], $0x1000;
	s1 =	sshll.u32 s0, $0xE  }
0x36: {  	s3 =	simm.s32 @!p0 $0x4;
	[sflag:s2] =	ssyncset.done $0x0;
	s1 =	sand.u32 $0x4000, s1  }
0x37: {  	s14 =	sand.u32 $0x60, s16;
	[sflag:s2] =	ssyncadd.s32 $0xFFFFF000;
	s2 =	sshrl.u32 s1, $0x2  }
0x38: {  	s5 =	sand.u32 $0xF80, s16;
	_ =	swait.ge @!p0 [sflag:s3], $0x8000;
	s30 =	sor.u32 $0x18000, s2  }
0x39: {  	s6 =	sor.u32 $0x10, s14;
	[sflag:s3] =	ssyncset.done @!p0 $0x0;
	s5 =	sadd.s32 s5, s30  }
0x3a: {  	[sflag:s3] =	ssyncadd.s32 @!p0 $0xFFFF8000;
	s17 =	sadd.s32 s6, s5  }
0x3b: {  	v1 =	vld [tilespmem:s17+$0x0];
	_ =	sdelay $0x1  }
0x3c: {  	s18 =	sshll.u32 s25, $0x5  }
0x3d: {  	s3 =	sand.u32 $0x60, s18;
	s19 =	sadd.s32 s14, s5  }
0x3e: {  	v0 =	vmov s3;
	v2 =	vld [tilespmem:s19+$0x0]  }
0x3f: {  	v1 =	vadd.s32 v0, v1  }
0x40: {  	v3 =	vshll.u32 v1, $0x3  }
0x41: {  	v1 =	vand.u32 $0x7F, v1;
	v3 =	vand.u32 $0xFFFFFC00, v3  }
0x42: {  	v7 =	vor.u32 v1, v3  }
0x43: {  	v1 =	vadd.s32 v0, v2  }
0x44: {  	v2 =	vshll.u32 v1, $0x3  }
0x45: {  	s20 =	simm.s32 $0x20;
	v1 =	vand.u32 $0x7F, v1;
	v2 =	vand.u32 $0xFFFFFC00, v2  }
0x46: {  	s21 =	sand.u32 $0x60, s20;
	s3 =	sand.u32 $0xF80, s20;
	v3 =	vor.u32 v1, v2  }
0x47: {  	s8 =	sor.u32 $0x10, s21;
	s7 =	sadd.s32 s3, s30;
	v1 =	vld.idx.msk [tilespmem:v7+s4+$0x0], $0xffff  }
0x48: {  	s9 =	sadd.s32 s8, s7;
	v2 =	vor.u32 $0x80, v7  }
0x49: {  	s17 =	sand.u32 $0x7C00, s16;
	v4 =	vld [tilespmem:s9+$0x0]  }
0x4a: {  	s10 =	sor.u32 $0x10000, s17  }
0x4b: {  	s3 =	sor.u32 s6, s10;
	v5 =	vld.idx.msk [tilespmem:v3+s4+$0x0], $0xffff  }
0x4c: {  	[tilespmem:s3+$0x0] =	vst v1;
	v1 =	vor.u32 $0x80, v3  }
0x4d: {  	s18 =	sadd.s32 s21, s7;
	v2 =	vld.idx.msk [tilespmem:v2+s4+$0x0], $0xffff  }
0x4e: {  	v8 =	vld [tilespmem:s18+$0x0];
	v4 =	vadd.s32 v0, v4;
	v6 =	vor.u32 $0x100, v7  }
0x4f: {  	s1 =	sor.u32 s14, s10;
	v9 =	vshll.u32 v4, $0x3  }
0x50: {  	v4 =	vand.u32 $0x7F, v4;
	[tilespmem:s1+$0x0] =	vst v5;
	v5 =	vand.u32 $0xFFFFFC00, v9  }
0x51: {  	v4 =	vor.u32 v4, v5;
	v1 =	vld.idx.msk [tilespmem:v1+s4+$0x0], $0xffff  }
0x52: {  	[tilespmem:s3+$0x80] =	vst v2  }
0x53: {  	s19 =	simm.s32 $0x40;
	v5 =	vadd.s32 v0, v8;
	v2 =	vor.u32 $0x100, v3;
	v6 =	vld.idx.msk [tilespmem:v6+s4+$0x0], $0xffff  }
0x54: {  	s20 =	sand.u32 $0x60, s19;
	s7 =	sand.u32 $0xF80, s19;
	v8 =	vor.u32 $0x180, v7;
	v9 =	vshll.u32 v5, $0x3  }
0x55: {  	s13 =	sor.u32 $0x10, s20;
	s29 =	sadd.s32 s7, s30;
	v5 =	vand.u32 $0x7F, v5;
	v9 =	vand.u32 $0xFFFFFC00, v9  }
0x56: {  	s14 =	sadd.s32 s13, s29;
	v5 =	vor.u32 v5, v9;
	[tilespmem:s1+$0x80] =	vst v1;
	v1 =	vld.idx.msk [tilespmem:v4+s4+$0x0], $0xffff  }
0x57: {  	s23 =	simm.s32 $0x100;
	v10 =	vld [tilespmem:s14+$0x0];
	v9 =	vor.u32 $0x80, v4  }
0x58: {  	s12 =	sand.u32 $0x7C00, s23;
	v2 =	vld.idx.msk [tilespmem:v2+s4+$0x0], $0xffff;
	[tilespmem:s3+$0x100] =	vst v6  }
0x59: {  	s11 =	sor.u32 $0x10000, s12;
	v6 =	vld.idx.msk [tilespmem:v8+s4+$0x0], $0xffff;
	v8 =	vor.u32 $0x180, v3  }
0x5a: {  	s7 =	sor.u32 s8, s11;
	v11 =	vor.u32 $0x200, v7  }
0x5b: {  	v12 =	vld.idx.msk [tilespmem:v5+s4+$0x0], $0xffff;
	[tilespmem:s7+$0x0] =	vst v1  }
0x5c: {  	s17 =	sadd.s32 s20, s29;
	v1 =	vor.u32 $0x80, v5;
	v9 =	vld.idx.msk [tilespmem:v9+s4+$0x0], $0xffff  }
0x5d: {  	[tilespmem:s1+$0x100] =	vst v2;
	v2 =	vld [tilespmem:s17+$0x0]  }
0x5e: {  	v13 =	vor.u32 $0x100, v4;
	v8 =	vld.idx.msk [tilespmem:v8+s4+$0x0], $0xffff;
	[tilespmem:s3+$0x180] =	vst v6;
	v6 =	vadd.s32 v0, v10  }
0x5f: {  	s5 =	sor.u32 s21, s11;
	v10 =	vor.u32 $0x200, v3;
	v11 =	vld.idx.msk [tilespmem:v11+s4+$0x0], $0xffff;
	v14 =	vshll.u32 v6, $0x3  }
0x60: {  	[tilespmem:s5+$0x0] =	vst v12;
	v6 =	vand.u32 $0x7F, v6;
	v12 =	vand.u32 $0xFFFFFC00, v14;
	v14 =	vor.u32 $0x280, v7  }
0x61: {  	v15 =	vld.idx.msk [tilespmem:v1+s4+$0x0], $0xffff;
	v1 =	vor.u32 v6, v12  }
0x62: {  	[tilespmem:s7+$0x80] =	vst v9;
	v9 =	vor.u32 $0x100, v5;
	v2 =	vadd.s32 v0, v2  }
0x63: {  	v12 =	vld.idx.msk [tilespmem:v13+s4+$0x0], $0xffff;
	v6 =	vshll.u32 v2, $0x3;
	[tilespmem:s1+$0x180] =	vst v8  }
0x64: {  	s18 =	simm.s32 $0x60;
	v2 =	vand.u32 $0x7F, v2;
	v8 =	vor.u32 $0x180, v4;
	v6 =	vand.u32 $0xFFFFFC00, v6;
	v10 =	vld.idx.msk [tilespmem:v10+s4+$0x0], $0xffff;
	[tilespmem:s3+$0x200] =	vst v11  }
0x65: {  	s8 =	sand.u32 $0x60, s18;
	s9 =	sand.u32 $0xF80, s18;
	v6 =	vor.u32 v2, v6;
	v2 =	vld.idx.msk [tilespmem:v14+s4+$0x0], $0xffff  }
0x66: {  	s9 =	sadd.s32 s9, s30;
	s19 =	sor.u32 $0x10, s8;
	v13 =	vor.u32 $0x300, v7;
	[tilespmem:s5+$0x80] =	vst v15;
	v11 =	vld.idx.msk [tilespmem:v1+s4+$0x0], $0xffff  }
0x67: {  	s12 =	simm.s32 $0x200;
	s14 =	sadd.s32 s19, s9;
	v9 =	vld.idx.msk [tilespmem:v9+s4+$0x0], $0xffff  }
0x68: {  	s21 =	sand.u32 $0x7C00, s12;
	v14 =	vor.u32 $0x80, v1;
	v15 =	vld [tilespmem:s14+$0x0];
	[tilespmem:s7+$0x100] =	vst v12  }
0x69: {  	s10 =	sor.u32 $0x10000, s21;
	v12 =	vor.u32 $0x180, v5;
	v8 =	vld.idx.msk [tilespmem:v8+s4+$0x0], $0xffff  }
0x6a: {  	v17 =	vor.u32 $0x200, v4;
	s14 =	sor.u32 s13, s10;
	v16 =	vld.idx.msk [tilespmem:v6+s4+$0x0], $0xffff;
	[tilespmem:s3+$0x280] =	vst v2  }
0x6b: {  	s23 =	sadd.s32 s8, s9;
	v2 =	vor.u32 $0x80, v6;
	[tilespmem:s14+$0x0] =	vst v11;
	v11 =	vld.idx.msk [tilespmem:v13+s4+$0x0], $0xffff  }
0x6c: {  	s29 =	sand.u32 $0x3, s16;
	v13 =	vor.u32 $0x280, v3;
	[tilespmem:s5+$0x100] =	vst v9;
	v9 =	vld [tilespmem:s23+$0x0]  }
0x6d: {  	s9 =	sshll.u32 s29, $0x5;
	v7 =	vor.u32 $0x380, v7;
	v14 =	vld.idx.msk [tilespmem:v14+s4+$0x0], $0xffff  }
0x6e: {  	v18 =	vor.u32 $0x100, v1;
	s13 =	sor.u32 s20, s10;
	s10 =	sadd.s32 $0x0, s9;
	v12 =	vld.idx.msk [tilespmem:v12+s4+$0x0], $0xffff;
	[tilespmem:s7+$0x180] =	vst v8;
	v8 =	vadd.s32 v0, v15  }
0x6f: {  	s16 =	sadd.s32 $0x10, s10;
	v15 =	vor.u32 $0x200, v5;
	[tilespmem:s13+$0x0] =	vst v16;
	v16 =	vld.idx.msk [tilespmem:v17+s4+$0x0], $0xffff;
	v17 =	vshll.u32 v8, $0x3  }
0x70: {  	s21 =	sor.u32 $0x300, s16;
	[tilespmem:s1+$0x200] =	vst v10;
	v10 =	vld.idx.msk [tilespmem:v2+s4+$0x0], $0xffff;
	v2 =	vand.u32 $0x7F, v8;
	v8 =	vand.u32 $0xFFFFFC00, v17;
	v17 =	vor.u32 $0x280, v4  }
0x71: {  	v13 =	vld.idx.msk [tilespmem:v13+s4+$0x0], $0xffff;
	[tilespmem:s21+$0x10000] =	vst v11;
	v2 =	vor.u32 v2, v8  }
0x72: {  	v8 =	vor.u32 $0x100, v6;
	v9 =	vadd.s32 v0, v9;
	[tilespmem:s14+$0x80] =	vst v14;
	v7 =	vld.idx.msk [tilespmem:v7+s4+$0x0], $0xffff  }
0x73: {  	v11 =	vor.u32 $0x300, v3;
	v14 =	vshll.u32 v9, $0x3;
	[tilespmem:s5+$0x180] =	vst v12;
	v18 =	vld.idx.msk [tilespmem:v18+s4+$0x0], $0xffff  }
0x74: {  	v9 =	vand.u32 $0x7F, v9;
	v12 =	vand.u32 $0xFFFFFC00, v14;
	v14 =	vor.u32 $0x180, v1;
	v15 =	vld.idx.msk [tilespmem:v15+s4+$0x0], $0xffff;
	[tilespmem:s7+$0x200] =	vst v16  }
0x75: {  	v12 =	vor.u32 v9, v12;
	v9 =	vld.idx.msk [tilespmem:v17+s4+$0x0], $0xffff  }
0x76: {  	[tilespmem:s13+$0x80] =	vst v10;
	v10 =	vld.idx.msk [tilespmem:v2+s4+$0x0], $0xffff  }
0x77: {  	s9 =	simm.s32 $0x300;
	s23 =	simm.s32 $0x80;
	[tilespmem:s1+$0x280] =	vst v13;
	v8 =	vld.idx.msk [tilespmem:v8+s4+$0x0], $0xffff;
	v13 =	vor.u32 $0x300, v4  }
0x78: {  	s17 =	sand.u32 $0x7C00, s9;
	s20 =	sand.u32 $0x60, s23;
	s1 =	sand.u32 $0xF80, s23;
	v11 =	vld.idx.msk [tilespmem:v11+s4+$0x0], $0xffff;
	[tilespmem:s14+$0x100] =	vst v18  }
0x79: {  	s17 =	sor.u32 $0x10000, s17;
	s3 =	sor.u32 $0x10, s20;
	v16 =	vor.u32 $0x80, v2;
	s1 =	sadd.s32 s1, s30;
	v14 =	vld.idx.msk [tilespmem:v14+s4+$0x0], $0xffff  }
0x7a: {  	s19 =	sor.u32 s19, s17;
	s18 =	sadd.s32 s3, s1;
	v18 =	vld.idx.msk [tilespmem:v12+s4+$0x0], $0xffff;
	[tilespmem:s7+$0x280] =	vst v9  }
0x7b: {  	v17 =	vor.u32 $0x180, v6;
	v19 =	vld [tilespmem:s18+$0x0];
	[tilespmem:s19+$0x0] =	vst v10  }
0x7c: {  	v20 =	vor.u32 $0x200, v1;
	s6 =	sor.u32 $0x380, s16;
	v10 =	vld.idx.msk [tilespmem:v13+s4+$0x0], $0xffff;
	[dreg:$0xe] =	wrdreg s26  }
0x7d: {  	v9 =	vor.u32 $0x80, v12;
	s7 =	simm.s32 $0x1;
	[tilespmem:s6+$0x10000] =	vst v7  }
0x7e: {  	s1 =	sadd.s32 s20, s1;
	v13 =	vor.u32 $0x280, v5;
	s29 =	sand.u32 $0x3, s7;
	v16 =	vld.idx.msk [tilespmem:v16+s4+$0x0], $0xffff;
	[tilespmem:s13+$0x100] =	vst v8  }
0x7f: {  	v21 =	vor.u32 $0x380, v3;
	v23 =	vor.u32 $0x380, v4;
	s11 =	sor.u32 s8, s17;
	v22 =	vld [tilespmem:s1+$0x0];
	s6 =	sshll.u32 s29, $0x5;
	[tilespmem:s5+$0x200] =	vst v15  }
0x80: {  	v25 =	vor.u32 $0x200, v6;
	v3 =	vor.u32 $0x380, v5;
	v24 =	vor.u32 $0x100, v2;
	s23 =	sor.u32 $0x300, s10;
	s26 =	sadd.s32 $0x1, s26;
	v17 =	vld.idx.msk [tilespmem:v17+s4+$0x0], $0xffff;
	[tilespmem:s14+$0x180] =	vst v14;
	s6 =	sadd.s32 $0x100, s6  }
0x81: {  	v4 =	vor.u32 $0x380, v6;
	s18 =	simm.s32 $0x1;
	p0 =	seq.s32 s26, $0x2;
	v8 =	vor.u32 $0x300, v5;
	v14 =	vadd.s32 v0, v19;
	[tilespmem:s11+$0x0] =	vst v18;
	v18 =	vld.idx.msk [tilespmem:v20+s4+$0x0], $0xffff;
	s16 =	sadd.s32 $0x10, s6  }
0x82: {  	v7 =	vor.u32 $0x280, v6;
	v5 =	vor.u32 $0x300, v6;
	[tilespmem:s23+$0x10000] =	vst v11;
	s18 =	simm.s32 @!p0 $0x0;
	v6 =	vshll.u32 v14, $0x3;
	v15 =	vld.idx.msk [tilespmem:v9+s4+$0x0], $0xffff;
	s21 =	sor.u32 $0x300, s16  }
0x83: {  	v19 =	vor.u32 $0x280, v1;
	s28 =	sadd.s32 s18, s31;
	v9 =	vand.u32 $0x7F, v14;
	v6 =	vand.u32 $0xFFFFFC00, v6;
	v27 =	vld.idx.msk [tilespmem:v13+s4+$0x0], $0xffff;
	[tilespmem:s21+$0x10000] =	vst v10  }
0x84: {  	v28 =	vor.u32 $0x100, v12;
	v21 =	vld.idx.msk [tilespmem:v21+s4+$0x0], $0xffff;
	p1 =	seq.s32 s28, $0x1A;
	v10 =	vor.u32 v9, v6;
	v20 =	vadd.s32 v0, v22;
	[tilespmem:s19+$0x80] =	vst v16  }
0x85: {  	s17 =	simm.s32 $0x8;
	v11 =	vor.u32 $0x280, v12;
	v14 =	vor.u32 $0x180, v12;
	s29 =	sadd.s32 s18, s24;
	p1 =	por !p0, !p1;
	v30 =	vld.idx.msk [tilespmem:v23+s4+$0x0], $0xffff;
	v6 =	vshll.u32 v20, $0x3;
	[tilespmem:s13+$0x180] =	vst v17  }
0x86: {  	s1 =	simm.s32 $0x1;
	v13 =	vor.u32 $0x200, v12;
	p1 =	por !p1, !p1;
	v24 =	vld.idx.msk [tilespmem:v24+s4+$0x0], $0xffff;
	v16 =	vand.u32 $0x7F, v20;
	v20 =	vand.u32 $0xFFFFFC00, v6;
	[dreg:$0xf] =	wrdreg s29  }
0x87: {  	s10 =	sor.u32 $0x380, s10;
	s26 =	simm.s32 @p0 $0x0;
	v9 =	vor.u32 $0x300, v12;
	s1 =	simm.s32 @!p1 $0x0;
	v26 =	vor.u32 v16, v20;
	v22 =	vld.idx.msk [tilespmem:v25+s4+$0x0], $0xffff;
	[tilespmem:s14+$0x200] =	vst v18;
	v25 =	vor.u32 $0x180, v2  }
0x88: {  	s18 =	simm.s32 $0x400;
	s8 =	sor.u32 $0x380, s16;
	s25 =	sadd.s32 s1, s25;
	v6 =	vor.u32 $0x380, v12;
	[tilespmem:s5+$0x280] =	vst v27;
	v27 =	vor.u32 $0x300, v1;
	v18 =	vor.u32 $0x80, v26;
	v23 =	vld.idx.msk [tilespmem:v19+s4+$0x0], $0xffff  }
0x89: {  	s21 =	sand.u32 $0x7C00, s18;
	s1 =	sadd.s32 $0x1, s25;
	[tilespmem:s11+$0x80] =	vst v15;
	s5 =	sor.u32 $0x380, s6;
	v17 =	vor.u32 $0x100, v26;
	v20 =	vor.u32 $0x180, v26;
	v15 =	vor.u32 $0x200, v26;
	v29 =	vld.idx.msk [tilespmem:v10+s4+$0x0], $0xffff  }
0x8a: {  	s28 =	smov.u32 @p1 s1;
	s1 =	sor.u32 $0x300, s6;
	v16 =	vor.u32 $0x280, v26;
	v19 =	vor.u32 $0x300, v26;
	v12 =	vor.u32 $0x380, v26;
	v28 =	vld.idx.msk [tilespmem:v28+s4+$0x0], $0xffff;
	[tilespmem:s8+$0x10000] =	vst v30;
	s8 =	simm.s32 $0xA0  }
.LBB2_5:
0x8b: {  	s29 =	sand.u32 $0x60, s8;
	s6 =	sand.u32 $0xF80, s8;
	s17 =	sadd.s32 $0x2, s17;
	v30 =	vor.u32 $0x80, v10;
	[tilespmem:s19+$0x100] =	vst v24;
	v24 =	vld.idx.msk [tilespmem:v8+s4+$0x0], $0xffff;
	v8 =	vmovc v5;
	v5 =	vmov v9;
	v9 =	vmov v19  }
0x8c: {  	s6 =	sadd.s32 s6, s30;
	s16 =	sor.u32 $0x10, s29;
	p0 =	slt.u32 s17, $0xFE;
	v19 =	vld.idx.msk [tilespmem:v25+s4+$0x0], $0xffff;
	[tilespmem:s10+$0x10000] =	vst v21  }
0x8d: {  	s10 =	sor.u32 $0x10000, s21;
	s23 =	sadd.s32 s29, s6;
	s6 =	sadd.s32 s16, s6;
	v21 =	vld.idx.msk [tilespmem:v26+s4+$0x0], $0xffff;
	[tilespmem:s13+$0x200] =	vst v22  }
0x8e: {  	v25 =	vor.u32 $0x200, v2;
	v22 =	vld [tilespmem:s6+$0x0];
	s6 =	sor.u32 s20, s10;
	s10 =	sor.u32 s3, s10;
	[tilespmem:s14+$0x280] =	vst v23;
	s20 =	smov.u32 s29  }
0x8f: {  	s7 =	sadd.s32 $0x1, s7;
	s3 =	smov.u32 s16;
	s14 =	smov.u32 s19;
	[tilespmem:s10+$0x0] =	vst v29;
	v23 =	vld.idx.msk [tilespmem:v27+s4+$0x0], $0xffff  }
0x90: {  	s16 =	sand.u32 $0x3, s7;
	s19 =	smov.u32 s10;
	s10 =	smov.u32 s5;
	v26 =	vld.idx.msk [tilespmem:v30+s4+$0x0], $0xffff;
	[tilespmem:s11+$0x100] =	vst v28  }
0x91: {  	s5 =	sshll.u32 s16, $0x5;
	v28 =	vor.u32 $0x380, v1;
	v1 =	vmov v2;
	v2 =	vmov v10;
	v27 =	vld [tilespmem:s23+$0x0];
	[tilespmem:s1+$0x10000] =	vst v24  }
0x92: {  	s16 =	sadd.s32 s5, s12;
	s12 =	smov.u32 s9;
	s9 =	smov.u32 s18;
	v24 =	vor.u32 $0x100, v2;
	v29 =	vld.idx.msk [tilespmem:v14+s4+$0x0], $0xffff;
	[tilespmem:s14+$0x180] =	vst v19;
	v14 =	vmov v20  }
0x93: {  	s1 =	sor.u32 $0x300, s16;
	s5 =	sor.u32 $0x380, s16;
	s16 =	sadd.s32 $0x10, s16;
	v10 =	vadd.s32 v0, v22;
	[tilespmem:s6+$0x0] =	vst v21;
	v19 =	vld.idx.msk [tilespmem:v25+s4+$0x0], $0xffff  }
0x94: {  	s21 =	sor.u32 $0x300, s16;
	v20 =	vshll.u32 v10, $0x3;
	v30 =	vld.idx.msk [tilespmem:v18+s4+$0x0], $0xffff  }
0x95: {  	v31 =	vor.u32 $0x280, v1;
	v10 =	vand.u32 $0x7F, v10;
	v18 =	vand.u32 $0xFFFFFC00, v20;
	v32 =	vld.idx.msk [tilespmem:v7+s4+$0x0], $0xffff;
	[tilespmem:s21+$0x10000] =	vst v23;
	v7 =	vmovc v11;
	v11 =	vmovc v16  }
0x96: {  	v16 =	vadd.s32 v0, v27;
	v10 =	vor.u32 v10, v18;
	[tilespmem:s19+$0x80] =	vst v26;
	v33 =	vld.idx.msk [tilespmem:v28+s4+$0x0], $0xffff  }
0x97: {  	v18 =	vand.u32 $0x7F, v16;
	v16 =	vshll.u32 v16, $0x3;
	v24 =	vld.idx.msk [tilespmem:v24+s4+$0x0], $0xffff  }
.Ltmp1:
0x98: {  	v16 =	vand.u32 $0xFFFFFC00, v16;
	[tilespmem:s11+$0x180] =	vst v29;
	v21 =	vld.idx.msk [tilespmem:v3+s4+$0x0], $0xffff;
	v3 =	vmovc v4;
	v4 =	vmov v6;
	v6 =	vmov v12;
	(pc) =	sbr.rel @p0 .LBB2_5-.Ltmp1, $4  }
0x99: {  	v25 =	vor.u32 $0x180, v2;
	v26 =	vor.u32 v18, v16;
	v22 =	vld.idx.msk [tilespmem:v13+s4+$0x0], $0xffff;
	[tilespmem:s14+$0x200] =	vst v19;
	v13 =	vmov v15  }
0x9a: {  	v18 =	vor.u32 $0x80, v26;
	v34 =	vor.u32 $0x100, v26;
	v20 =	vor.u32 $0x180, v26;
	[tilespmem:s6+$0x80] =	vst v30;
	v23 =	vld.idx.msk [tilespmem:v31+s4+$0x0], $0xffff  }
0x9b: {  	s18 =	sadd.s32 $0x100, s18;
	s16 =	sor.u32 $0x380, s16;
	v15 =	vor.u32 $0x200, v26;
	v16 =	vor.u32 $0x280, v26;
	v19 =	vor.u32 $0x300, v26;
	v29 =	vld.idx.msk [tilespmem:v10+s4+$0x0], $0xffff;
	[tilespmem:s13+$0x280] =	vst v32;
	s13 =	smov.u32 s11  }
0x9c: {  	s8 =	sadd.s32 $0x20, s8;
	s21 =	sand.u32 $0x7C00, s18;
	v27 =	vor.u32 $0x300, v1;
	v12 =	vor.u32 $0x380, v26;
	s11 =	smov.u32 s6;
	v28 =	vld.idx.msk [tilespmem:v17+s4+$0x0], $0xffff;
	[tilespmem:s16+$0x10000] =	vst v33;
	v17 =	vmov v34  }
0x9d: {  	_ =	sdelay $0x2  }
0x9e: {  	v0 =	vor.u32 $0x80, v10  }
0x9f: {  	v26 =	vld.idx.msk [tilespmem:v26+s4+$0x0], $0xffff  }
0xa0: {  	s8 =	sor.u32 $0x10000, s21  }
0xa1: {  	s6 =	sor.u32 s3, s8  }
0xa2: {  	[tilespmem:s6+$0x0] =	vst v29  }
0xa3: {  	s29 =	sor.u32 s20, s8;
	v0 =	vld.idx.msk [tilespmem:v0+s4+$0x0], $0xffff  }
0xa4: {  	v29 =	vor.u32 $0x100, v10;
	[tilespmem:s29+$0x0] =	vst v26  }
0xa5: {  	v18 =	vld.idx.msk [tilespmem:v18+s4+$0x0], $0xffff;
	_ =	sdelay $0x1  }
0xa6: {  	[tilespmem:s11+$0x100] =	vst v28  }
0xa7: {  	v14 =	vld.idx.msk [tilespmem:v14+s4+$0x0], $0xffff;
	[tilespmem:s6+$0x80] =	vst v0  }
0xa8: {  	[tilespmem:s19+$0x100] =	vst v24;
	v0 =	vld.idx.msk [tilespmem:v29+s4+$0x0], $0xffff  }
0xa9: {  	v26 =	vor.u32 $0x180, v10;
	[tilespmem:s29+$0x80] =	vst v18;
	v18 =	vld.idx.msk [tilespmem:v25+s4+$0x0], $0xffff  }
0xaa: {  	v24 =	vor.u32 $0x200, v2;
	v17 =	vld.idx.msk [tilespmem:v17+s4+$0x0], $0xffff  }
0xab: {  	[tilespmem:s10+$0x10000] =	vst v21  }
0xac: {  	[tilespmem:s11+$0x180] =	vst v14  }
0xad: {  	v13 =	vld.idx.msk [tilespmem:v13+s4+$0x0], $0xffff;
	[tilespmem:s6+$0x100] =	vst v0  }
0xae: {  	[tilespmem:s19+$0x180] =	vst v18;
	v0 =	vld.idx.msk [tilespmem:v26+s4+$0x0], $0xffff  }
0xaf: {  	v25 =	vor.u32 $0x200, v10;
	[tilespmem:s29+$0x100] =	vst v17;
	v18 =	vld.idx.msk [tilespmem:v24+s4+$0x0], $0xffff  }
0xb0: {  	[tilespmem:s13+$0x200] =	vst v22;
	v17 =	vld.idx.msk [tilespmem:v20+s4+$0x0], $0xffff  }
0xb1: {  	v8 =	vld.idx.msk [tilespmem:v8+s4+$0x0], $0xffff;
	[tilespmem:s14+$0x280] =	vst v23;
	v20 =	vor.u32 $0x280, v2  }
0xb2: {  	v7 =	vld.idx.msk [tilespmem:v7+s4+$0x0], $0xffff;
	[tilespmem:s11+$0x200] =	vst v13  }
0xb3: {  	v11 =	vld.idx.msk [tilespmem:v11+s4+$0x0], $0xffff;
	[tilespmem:s6+$0x180] =	vst v0  }
0xb4: {  	s7 =	sadd.s32 $0x1, s7;
	[tilespmem:s19+$0x200] =	vst v18;
	v0 =	vld.idx.msk [tilespmem:v25+s4+$0x0], $0xffff  }
0xb5: {  	s10 =	sand.u32 $0x3, s7;
	v14 =	vor.u32 $0x280, v10;
	[tilespmem:s29+$0x180] =	vst v17;
	v17 =	vld.idx.msk [tilespmem:v27+s4+$0x0], $0xffff  }
0xb6: {  	s8 =	sshll.u32 s10, $0x5;
	[tilespmem:s1+$0x10000] =	vst v8;
	v8 =	vld.idx.msk [tilespmem:v20+s4+$0x0], $0xffff  }
0xb7: {  	v1 =	vor.u32 $0x380, v1;
	s1 =	sadd.s32 s8, s12;
	[tilespmem:s13+$0x280] =	vst v7;
	v15 =	vld.idx.msk [tilespmem:v15+s4+$0x0], $0xffff  }
0xb8: {  	s8 =	sadd.s32 $0x10, s1;
	[tilespmem:s11+$0x280] =	vst v11  }
0xb9: {  	s12 =	sor.u32 $0x300, s8;
	v18 =	vor.u32 $0x300, v2;
	[tilespmem:s6+$0x200] =	vst v0  }
0xba: {  	[tilespmem:s12+$0x10000] =	vst v17;
	v0 =	vld.idx.msk [tilespmem:v14+s4+$0x0], $0xffff  }
0xbb: {  	s7 =	sadd.s32 $0x1, s7;
	v13 =	vor.u32 $0x300, v10;
	[tilespmem:s19+$0x280] =	vst v8;
	v8 =	vld.idx.msk [tilespmem:v9+s4+$0x0], $0xffff  }
0xbc: {  	s13 =	sand.u32 $0x3, s7;
	[tilespmem:s29+$0x200] =	vst v15;
	v1 =	vld.idx.msk [tilespmem:v1+s4+$0x0], $0xffff  }
0xbd: {  	s10 =	sshll.u32 s13, $0x5;
	v14 =	vld.idx.msk [tilespmem:v16+s4+$0x0], $0xffff  }
0xbe: {  	s16 =	sadd.s32 s10, s9;
	v7 =	vld.idx.msk [tilespmem:v18+s4+$0x0], $0xffff  }
0xbf: {  	s14 =	sadd.s32 $0x1, s7;
	v5 =	vld.idx.msk [tilespmem:v5+s4+$0x0], $0xffff;
	s10 =	sor.u32 $0x300, s16;
	[tilespmem:s6+$0x280] =	vst v0  }
0xc0: {  	s8 =	sor.u32 $0x380, s8;
	v2 =	vor.u32 $0x380, v2;
	[tilespmem:s10+$0x10000] =	vst v8;
	s6 =	sand.u32 $0x3, s14;
	v0 =	vld.idx.msk [tilespmem:v13+s4+$0x0], $0xffff  }
0xc1: {  	s9 =	sadd.s32 $0x10, s16;
	[tilespmem:s8+$0x10000] =	vst v1;
	s6 =	sshll.u32 s6, $0x5  }
0xc2: {  	s17 =	sor.u32 $0x300, s9;
	[tilespmem:s29+$0x280] =	vst v14;
	s6 =	sadd.s32 s6, s18  }
0xc3: {  	v9 =	vor.u32 $0x380, v10;
	[tilespmem:s17+$0x10000] =	vst v7;
	v1 =	vld.idx.msk [tilespmem:v19+s4+$0x0], $0xffff;
	s18 =	sor.u32 $0x300, s1;
	s19 =	sadd.s32 $0x10, s6  }
0xc4: {  	v3 =	vld.idx.msk [tilespmem:v3+s4+$0x0], $0xffff;
	[tilespmem:s18+$0x10000] =	vst v5;
	s20 =	sor.u32 $0x300, s19  }
0xc5: {  	v2 =	vld.idx.msk [tilespmem:v2+s4+$0x0], $0xffff;
	[tilespmem:s20+$0x10000] =	vst v0  }
0xc6: {  	s22 =	sadd.s32 $0x1, s22;
	v5 =	vld.idx.msk [tilespmem:v6+s4+$0x0], $0xffff;
	s23 =	rddreg [dreg:$0x7]  }
0xc7: {  	s21 =	sor.u32 $0x300, s6;
	v4 =	vld.idx.msk [tilespmem:v4+s4+$0x0], $0xffff;
	p0 =	sge.u32 s22, s23  }
0xc8: {  	v0 =	vld.idx.msk [tilespmem:v9+s4+$0x0], $0xffff;
	[tilespmem:s21+$0x10000] =	vst v1;
	s8 =	smul.u32 @!p0 $0x7D00, s25  }
0xc9: {  	s29 =	sor.u32 $0x380, s9;
	[tilespmem:s5+$0x10000] =	vst v3;
	v1 =	vld.idx.msk [tilespmem:v12+s4+$0x0], $0xffff;
	s30 =	smul.u32 @!p0 $0xCB400, s26  }
0xca: {  	s7 =	sor.u32 $0x380, s16;
	[tilespmem:s29+$0x10000] =	vst v2;
	s5 =	smul.u32 @!p0 $0x196800, s28;
	s8 =	sand.u32 @!p0 $0xFFFFFC00, s8  }
0xcb: {  	s1 =	sor.u32 $0x380, s1;
	[tilespmem:s7+$0x10000] =	vst v5;
	s3 =	sadd.s32 @!p0 s30, s8  }
0xcc: {  	s9 =	sor.u32 $0x380, s19;
	[tilespmem:s1+$0x10000] =	vst v4;
	s1 =	sadd.s32 @!p0 s5, s3  }
0xcd: {  	s10 =	sor.u32 $0x380, s6;
	s21 =	rddreg [dreg:$0x0];
	[tilespmem:s9+$0x10000] =	vst v0;
	s1 =	sshrl.u32 @!p0 s1, $0x3  }
0xce: {  	s0 =	sxor.u32 @!p0 $0xFFFFFFFF, s0;
	[tilespmem:s10+$0x10000] =	vst v1;
	s3 =	simm.s32 @!p0 $0x0;
	s1 =	sadd.s32 @!p0 s21, s1  }
0xcf: {  	[tilespmem:s3], [sflag:$0x1] =	stream.linear.gather @!p0 [hbm4b:s1+s3], $0x8000, $0x38;
	[tilespmem:$0x1C000] =	vst v63  }
0xd0: {  	s0 =	sshll.u32 @!p0 s0, $0xC;
	s1 =	sshll.u32 @!p0 s25, $0x9  }
0xd1: {  	s0 =	sand.u32 @!p0 $0x1000, s0;
	s6 =	rddreg [dreg:$0x5];
	s1 =	sand.u32 @!p0 $0x1FFFFE00, s1  }
0xd2: {  	s5 =	sor.u32 @!p0 $0x18000, s0;
	s1 =	sadd.s32 @!p0 s6, s1  }
0xd3: {  	[tilespmem:s5], [sflag:$0x3] =	stream.linear.gather @!p0 [hbm4b:s1+s3], $0x1000, $0x38;
	[tilespmem:$0x1C000] =	vst v63  }
0xd4: {  	s1 =	sshll.u32 @!p0 s28, $0x9  }
0xd5: {  	s11 =	simm.s32 $0x2;
	s5 =	simm.s32 $0x0;
	s1 =	sand.u32 @!p0 $0x1FFFFE00, s1  }
0xd6: {  	s0 =	sor.u32 @!p0 $0x1A000, s0;
	s12 =	sand.u32 $0x60, s5;
	s1 =	sadd.s32 @!p0 s6, s1  }
0xd7: {  	[tilespmem:s0], [sflag:$0x3] =	stream.linear.gather @!p0 [hbm4b:s1+s3], $0x1000, $0x38;
	[tilespmem:$0x1C000] =	vst v63  }
0xd8: {  	s13 =	sand.u32 $0xF80, s5;
	s0 =	sor.u32 $0x1A000, s2;
	_ =	swait.ge [sflag:s11], $0x8000  }
0xd9: {  	s16 =	sor.u32 $0x10, s12;
	s14 =	sadd.s32 s13, s0;
	[sflag:s11] =	ssyncset.done $0x0  }
0xda: {  	s17 =	sadd.s32 s16, s14;
	[sflag:s11] =	ssyncadd.s32 $0xFFFF8000  }
0xdb: {  	v1 =	vld [tilespmem:s17+$0x0];
	_ =	sdelay $0x1  }
0xdc: {  	s18 =	sshll.u32 s31, $0x5  }
0xdd: {  	s6 =	sand.u32 $0x60, s18  }
0xde: {  	v0 =	vmov s6  }
0xdf: {  	v1 =	vadd.s32 v0, v1  }
0xe0: {  	v2 =	vshll.u32 v1, $0x3  }
0xe1: {  	v1 =	vand.u32 $0x7F, v1;
	v2 =	vand.u32 $0xFFFFFC00, v2  }
0xe2: {  	s19 =	sand.u32 $0x7C00, s5;
	v1 =	vor.u32 v1, v2  }
0xe3: {  	s6 =	sor.u32 $0x10000, s19  }
0xe4: {  	s2 =	sor.u32 s16, s6  }
0xe5: {  	s3 =	sadd.s32 s12, s14;
	v3 =	vld [tilespmem:s2+$0x0]  }
0xe6: {  	v4 =	vld [tilespmem:s3+$0x0]  }
0xe7: {  	v2 =	vld.idx.msk [tilespmem:v1+s15+$0x0], $0xffff;
	_ =	sdelay $0x2  }
0xe8: {  	v5 =	vor.u32 $0x80, v1;
	_ =	sdelay $0x1  }
0xe9: {  	v2 =	vmul.f32 v2, v3;
	v3 =	vadd.s32 v0, v4  }
0xea: {  	v4 =	vshll.u32 v3, $0x3  }
0xeb: {  	[tilespmem:s2+$0x0] =	vst v2;
	v2 =	vand.u32 $0x7F, v3;
	v3 =	vand.u32 $0xFFFFFC00, v4  }
0xec: {  	v4 =	vld.idx.msk [tilespmem:v5+s15+$0x0], $0xffff;
	v5 =	vor.u32 v2, v3  }
0xed: {  	v2 =	vld [tilespmem:s2+$0x80];
	_ =	sdelay $0x1  }
0xee: {  	s20 =	simm.s32 $0x20  }
0xef: {  	s29 =	sand.u32 $0x60, s20;
	s1 =	sand.u32 $0xF80, s20;
	v3 =	vor.u32 $0x100, v1  }
0xf0: {  	s9 =	sor.u32 $0x10, s29;
	s1 =	sadd.s32 s1, s0;
	s3 =	sor.u32 s12, s6;
	v6 =	vld.idx.msk [tilespmem:v5+s15+$0x0], $0xffff  }
0xf1: {  	s10 =	sadd.s32 s9, s1;
	v2 =	vmul.f32 v4, v2;
	v4 =	vld [tilespmem:s3+$0x0]  }
0xf2: {  	v7 =	vld [tilespmem:s10+$0x0]  }
0xf3: {  	[tilespmem:s2+$0x80] =	vst v2;
	v2 =	vld [tilespmem:s2+$0x100]  }
0xf4: {  	v8 =	vor.u32 $0x80, v5;
	v3 =	vld.idx.msk [tilespmem:v3+s15+$0x0], $0xffff;
	_ =	sdelay $0x1  }
0xf5: {  	v4 =	vmul.f32 v6, v4  }
0xf6: {  	v9 =	vld [tilespmem:s3+$0x80];
	v6 =	vor.u32 $0x180, v1  }
0xf7: {  	v10 =	vld [tilespmem:s3+$0x100];
	[tilespmem:s3+$0x0] =	vst v4  }
0xf8: {  	s1 =	sadd.s32 s29, s1;
	v2 =	vmul.f32 v3, v2;
	v3 =	vadd.s32 v0, v7;
	v7 =	vld.idx.msk [tilespmem:v8+s15+$0x0], $0xffff  }
0xf9: {  	v8 =	vld [tilespmem:s1+$0x0];
	v4 =	vshll.u32 v3, $0x3  }
0xfa: {  	s13 =	simm.s32 $0x40;
	v11 =	vld [tilespmem:s3+$0x180];
	[tilespmem:s2+$0x100] =	vst v2;
	v2 =	vand.u32 $0x7F, v3;
	v3 =	vand.u32 $0xFFFFFC00, v4  }
0xfb: {  	s14 =	sand.u32 $0x60, s13;
	s8 =	sand.u32 $0xF80, s13;
	s11 =	simm.s32 $0x100;
	v6 =	vld.idx.msk [tilespmem:v6+s15+$0x0], $0xffff;
	v4 =	vor.u32 v2, v3  }
0xfc: {  	s8 =	sadd.s32 s8, s0;
	s16 =	sor.u32 $0x10, s14;
	s1 =	sand.u32 $0x7C00, s11;
	v2 =	vld [tilespmem:s2+$0x180];
	v3 =	vor.u32 $0x100, v5  }
0xfd: {  	s17 =	sadd.s32 s16, s8;
	s8 =	sadd.s32 s14, s8;
	v15 =	vld [tilespmem:s3+$0x200];
	s12 =	sor.u32 $0x10000, s1  }
0xfe: {  	v19 =	vld [tilespmem:s8+$0x0];
	s1 =	sor.u32 s9, s12;
	v8 =	vadd.s32 v0, v8;
	v7 =	vmul.f32 v7, v9  }
0xff: {  	v12 =	vor.u32 $0x200, v1;
	v14 =	vld [tilespmem:s1+$0x0];
	v9 =	vshll.u32 v8, $0x3  }
0x100: {  	v8 =	vand.u32 $0x7F, v8;
	v9 =	vand.u32 $0xFFFFFC00, v9;
	[tilespmem:s3+$0x80] =	vst v7;
	v13 =	vld.idx.msk [tilespmem:v4+s15+$0x0], $0xffff  }
0x101: {  	s7 =	sor.u32 s29, s12;
	v2 =	vmul.f32 v6, v2;
	v6 =	vor.u32 v8, v9;
	v3 =	vld.idx.msk [tilespmem:v3+s15+$0x0], $0xffff  }
0x102: {  	v17 =	vld [tilespmem:s7+$0x100]  }
0x103: {  	v9 =	vld [tilespmem:s2+$0x200];
	[tilespmem:s2+$0x180] =	vst v2  }
0x104: {  	v8 =	vor.u32 $0x80, v4;
	v2 =	vld.idx.msk [tilespmem:v12+s15+$0x0], $0xffff  }
0x105: {  	v18 =	vld [tilespmem:s7+$0x200];
	v13 =	vmul.f32 v13, v14  }
0x106: {  	v12 =	vor.u32 $0x180, v5;
	v14 =	vld.idx.msk [tilespmem:v6+s15+$0x0], $0xffff;
	v3 =	vmul.f32 v3, v10  }
0x107: {  	v16 =	vor.u32 $0x280, v1;
	v10 =	vld [tilespmem:s7+$0x0];
	[tilespmem:s1+$0x0] =	vst v13  }
0x108: {  	[tilespmem:s3+$0x100] =	vst v3;
	v3 =	vld [tilespmem:s1+$0x80]  }
0x109: {  	v8 =	vld.idx.msk [tilespmem:v8+s15+$0x0], $0xffff;
	v2 =	vmul.f32 v2, v9  }
0x10a: {  	v7 =	vld [tilespmem:s3+$0x280];
	v9 =	vor.u32 $0x80, v6  }
0x10b: {  	v12 =	vld.idx.msk [tilespmem:v12+s15+$0x0], $0xffff;
	[tilespmem:s2+$0x200] =	vst v2  }
0x10c: {  	v2 =	vmul.f32 v14, v10;
	v14 =	vor.u32 $0x100, v4;
	v10 =	vld.idx.msk [tilespmem:v16+s15+$0x0], $0xffff  }
0x10d: {  	v16 =	vld [tilespmem:s2+$0x280]  }
0x10e: {  	v13 =	vld [tilespmem:s7+$0x80];
	[tilespmem:s7+$0x0] =	vst v2;
	v2 =	vmul.f32 v8, v3  }
0x10f: {  	v3 =	vor.u32 $0x200, v5;
	v8 =	vld.idx.msk [tilespmem:v9+s15+$0x0], $0xffff  }
0x110: {  	v9 =	vor.u32 $0x300, v1;
	[tilespmem:s1+$0x80] =	vst v2;
	v2 =	vld [tilespmem:s1+$0x100]  }
0x111: {  	s5 =	sand.u32 $0x3, s5;
	v11 =	vmul.f32 v12, v11;
	v12 =	vld.idx.msk [tilespmem:v14+s15+$0x0], $0xffff  }
0x112: {  	s5 =	sshll.u32 s5, $0x5;
	v10 =	vmul.f32 v10, v16;
	v14 =	vld [tilespmem:s17+$0x0]  }
0x113: {  	s5 =	sadd.s32 $0x0, s5;
	s12 =	simm.s32 $0x200;
	[tilespmem:s3+$0x180] =	vst v11;
	v11 =	vld [tilespmem:s7+$0x180]  }
0x114: {  	s18 =	sadd.s32 $0x10, s5;
	s20 =	sand.u32 $0x7C00, s12;
	v16 =	vor.u32 $0x100, v6;
	v3 =	vld.idx.msk [tilespmem:v3+s15+$0x0], $0xffff;
	[tilespmem:s2+$0x280] =	vst v10  }
0x115: {  	s19 =	sor.u32 $0x300, s18;
	s29 =	sor.u32 $0x10000, s20;
	v9 =	vld.idx.msk [tilespmem:v9+s15+$0x0], $0xffff  }
0x116: {  	v10 =	vor.u32 $0x180, v4;
	v8 =	vmul.f32 v8, v13;
	s2 =	sor.u32 s14, s29;
	v13 =	vld [tilespmem:s19+$0x10000]  }
0x117: {  	s13 =	simm.s32 $0x1;
	v23 =	vld [tilespmem:s2+$0x100];
	v2 =	vmul.f32 v12, v2;
	v12 =	vadd.s32 v0, v14  }
0x118: {  	s10 =	sand.u32 $0x3, s13;
	s11 =	simm.s32 $0x60;
	v24 =	vld [tilespmem:s2+$0x180];
	[tilespmem:s7+$0x80] =	vst v8;
	v8 =	vshll.u32 v12, $0x3  }
0x119: {  	s13 =	simm.s32 $0x300;
	v20 =	vor.u32 $0x380, v1;
	s6 =	sand.u32 $0x60, s11;
	s9 =	sand.u32 $0xF80, s11;
	v16 =	vld.idx.msk [tilespmem:v16+s15+$0x0], $0xffff;
	v1 =	vand.u32 $0x7F, v12;
	[tilespmem:s1+$0x100] =	vst v2;
	v2 =	vand.u32 $0xFFFFFC00, v8  }
0x11a: {  	s11 =	sor.u32 $0x10, s6;
	s9 =	sadd.s32 s9, s0;
	s20 =	sand.u32 $0x7C00, s13;
	v12 =	vld [tilespmem:s1+$0x180];
	v1 =	vor.u32 v1, v2  }
0x11b: {  	s31 =	sor.u32 s16, s29;
	s14 =	sadd.s32 s11, s9;
	s29 =	sor.u32 $0x10000, s20;
	v10 =	vld.idx.msk [tilespmem:v10+s15+$0x0], $0xffff;
	v2 =	vmul.f32 v9, v13  }
0x11c: {  	s8 =	sor.u32 $0x380, s18;
	s18 =	sadd.s32 s6, s9;
	v25 =	vld [tilespmem:s14+$0x0];
	s9 =	sor.u32 s6, s29;
	v14 =	vor.u32 $0x280, v5;
	v9 =	vadd.s32 v0, v19  }
0x11d: {  	v27 =	vld [tilespmem:s9+$0x0];
	v3 =	vmul.f32 v3, v15;
	[tilespmem:s19+$0x10000] =	vst v2;
	v2 =	vshll.u32 v9, $0x3  }
0x11e: {  	v8 =	vld [tilespmem:s7+$0x280];
	v15 =	vor.u32 $0x200, v4;
	v9 =	vand.u32 $0x7F, v9;
	v2 =	vand.u32 $0xFFFFFC00, v2  }
0x11f: {  	v16 =	vmul.f32 v16, v17;
	v9 =	vor.u32 v9, v2;
	v17 =	vld.idx.msk [tilespmem:v1+s15+$0x0], $0xffff  }
0x120: {  	[tilespmem:s3+$0x200] =	vst v3;
	v2 =	vmul.f32 v10, v12;
	v10 =	vld [tilespmem:s31+$0x0]  }
0x121: {  	v3 =	vor.u32 $0x180, v6;
	v13 =	vld.idx.msk [tilespmem:v14+s15+$0x0], $0xffff;
	[tilespmem:s7+$0x100] =	vst v16  }
0x122: {  	v16 =	vld [tilespmem:s1+$0x200];
	[tilespmem:s1+$0x180] =	vst v2  }
0x123: {  	v2 =	vld.idx.msk [tilespmem:v15+s15+$0x0], $0xffff;
	v15 =	vor.u32 $0x80, v1  }
0x124: {  	v19 =	vld.idx.msk [tilespmem:v9+s15+$0x0], $0xffff  }
0x125: {  	v10 =	vmul.f32 v17, v10;
	v17 =	vld [tilespmem:s2+$0x0]  }
0x126: {  	v21 =	vor.u32 $0x280, v4;
	v3 =	vld.idx.msk [tilespmem:v3+s15+$0x0], $0xffff  }
0x127: {  	v14 =	vld.idx.msk [tilespmem:v20+s15+$0x0], $0xffff;
	[tilespmem:s31+$0x0] =	vst v10  }
0x128: {  	v10 =	vld.idx.msk [tilespmem:v15+s15+$0x0], $0xffff;
	v2 =	vmul.f32 v2, v16  }
0x129: {  	v22 =	vor.u32 $0x200, v6;
	v16 =	vld [tilespmem:s31+$0x80]  }
0x12a: {  	v20 =	vld [tilespmem:s2+$0x80];
	v15 =	vor.u32 $0x80, v9;
	v17 =	vmul.f32 v19, v17;
	[tilespmem:s1+$0x200] =	vst v2  }
0x12b: {  	v2 =	vmul.f32 v3, v11;
	v11 =	vld.idx.msk [tilespmem:v21+s15+$0x0], $0xffff  }
0x12c: {  	v19 =	vor.u32 $0x100, v1;
	[tilespmem:s2+$0x0] =	vst v17;
	v17 =	vld [tilespmem:s1+$0x280]  }
0x12d: {  	v12 =	vld [tilespmem:s8+$0x10000];
	[tilespmem:s7+$0x180] =	vst v2  }
0x12e: {  	v2 =	vmul.f32 v10, v16;
	v10 =	vld.idx.msk [tilespmem:v22+s15+$0x0], $0xffff  }
0x12f: {  	v15 =	vld.idx.msk [tilespmem:v15+s15+$0x0], $0xffff;
	v16 =	vor.u32 $0x300, v4  }
0x130: {  	v21 =	vld [tilespmem:s31+$0x100];
	[tilespmem:s31+$0x80] =	vst v2  }
0x131: {  	s10 =	sshll.u32 s10, $0x5;
	v11 =	vmul.f32 v11, v17;
	v17 =	vld.idx.msk [tilespmem:v19+s15+$0x0], $0xffff  }
0x132: {  	s10 =	sadd.s32 $0x100, s10;
	v3 =	vld [tilespmem:s2+$0x200];
	v22 =	vor.u32 $0x280, v6  }
0x133: {  	s16 =	sadd.s32 $0x10, s10;
	v2 =	vld [tilespmem:s2+$0x280];
	v19 =	vor.u32 $0x100, v9;
	v10 =	vmul.f32 v10, v18;
	[tilespmem:s1+$0x280] =	vst v11  }
0x134: {  	s17 =	sor.u32 $0x300, s16;
	v11 =	vmul.f32 v15, v20;
	v15 =	vld.idx.msk [tilespmem:v16+s15+$0x0], $0xffff;
	v16 =	vor.u32 $0x180, v1  }
0x135: {  	v18 =	vld [tilespmem:s17+$0x10000];
	[tilespmem:s7+$0x200] =	vst v10  }
0x136: {  	v20 =	vor.u32 $0x300, v5;
	[tilespmem:s2+$0x80] =	vst v11;
	v11 =	vld [tilespmem:s18+$0x0];
	v17 =	vmul.f32 v17, v21  }
0x137: {  	v7 =	vmul.f32 v13, v7;
	v13 =	vld.idx.msk [tilespmem:v22+s15+$0x0], $0xffff  }
0x138: {  	v10 =	vld.idx.msk [tilespmem:v19+s15+$0x0], $0xffff;
	v19 =	vor.u32 $0x380, v4;
	v4 =	vadd.s32 v0, v25;
	[tilespmem:s31+$0x100] =	vst v17  }
0x139: {  	v21 =	vshll.u32 v4, $0x3;
	v16 =	vld.idx.msk [tilespmem:v16+s15+$0x0], $0xffff  }
0x13a: {  	[tilespmem:s3+$0x280] =	vst v7;
	v4 =	vand.u32 $0x7F, v4;
	v7 =	vmul.f32 v15, v18;
	v15 =	vand.u32 $0xFFFFFC00, v21;
	v18 =	vld [tilespmem:s31+$0x180]  }
0x13b: {  	s19 =	sor.u32 $0x300, s5;
	v20 =	vld.idx.msk [tilespmem:v20+s15+$0x0], $0xffff;
	v4 =	vor.u32 v4, v15  }
0x13c: {  	v15 =	vld [tilespmem:s19+$0x10000];
	v11 =	vadd.s32 v0, v11;
	[tilespmem:s17+$0x10000] =	vst v7  }
0x13d: {  	v7 =	vmul.f32 v10, v23;
	v10 =	vshll.u32 v11, $0x3;
	s17 =	sor.u32 $0x380, s16;
	v21 =	vld.idx.msk [tilespmem:v19+s15+$0x0], $0xffff;
	v19 =	vor.u32 $0x200, v1  }
0x13e: {  	s3 =	sor.u32 s11, s29;
	v17 =	vor.u32 $0x180, v9;
	v11 =	vand.u32 $0x7F, v11;
	v10 =	vand.u32 $0xFFFFFC00, v10;
	v25 =	vld [tilespmem:s17+$0x10000]  }
0x13f: {  	[tilespmem:s2+$0x100] =	vst v7;
	v26 =	vor.u32 v11, v10;
	v11 =	vld [tilespmem:s3+$0x0];
	v7 =	vmul.f32 v16, v18  }
0x140: {  	v10 =	vld.idx.msk [tilespmem:v4+s15+$0x0], $0xffff  }
0x141: {  	v16 =	vld [tilespmem:s31+$0x200];
	[tilespmem:s31+$0x180] =	vst v7  }
0x142: {  	v7 =	vld.idx.msk [tilespmem:v19+s15+$0x0], $0xffff  }
0x143: {  	v23 =	vor.u32 $0x80, v4;
	v22 =	vld.idx.msk [tilespmem:v17+s15+$0x0], $0xffff  }
0x144: {  	v20 =	vmul.f32 v20, v15;
	v18 =	vld.idx.msk [tilespmem:v26+s15+$0x0], $0xffff  }
0x145: {  	v28 =	vor.u32 $0x280, v1;
	v17 =	vld [tilespmem:s9+$0x100];
	v10 =	vmul.f32 v10, v11  }
0x146: {  	v29 =	vor.u32 $0x200, v9;
	v13 =	vmul.f32 v13, v8;
	v8 =	vor.u32 $0x300, v9;
	v19 =	vld [tilespmem:s9+$0x80];
	[tilespmem:s19+$0x10000] =	vst v20  }
0x147: {  	v20 =	vld [tilespmem:s9+$0x200];
	v11 =	vmul.f32 v14, v12;
	v14 =	vor.u32 $0x80, v26;
	[tilespmem:s3+$0x0] =	vst v10;
	v16 =	vmul.f32 v7, v16  }
0x148: {  	[tilespmem:s7+$0x280] =	vst v13;
	v13 =	vor.u32 $0x200, v26;
	v15 =	vor.u32 $0x180, v26;
	v7 =	vor.u32 $0x380, v5;
	v30 =	vld.idx.msk [tilespmem:v23+s15+$0x0], $0xffff  }
0x149: {  	v10 =	vor.u32 $0x300, v6;
	v5 =	vor.u32 $0x380, v6;
	v23 =	vmul.f32 v18, v27;
	v27 =	vld [tilespmem:s3+$0x80];
	[tilespmem:s31+$0x200] =	vst v16  }
0x14a: {  	[tilespmem:s8+$0x10000] =	vst v11;
	v11 =	vor.u32 $0x280, v9;
	v6 =	vor.u32 $0x380, v9;
	v16 =	vmul.f32 v22, v24;
	v22 =	vld.idx.msk [tilespmem:v28+s15+$0x0], $0xffff  }
0x14b: {  	v9 =	vor.u32 $0x380, v26;
	v18 =	vor.u32 $0x100, v26;
	v24 =	vmul.f32 v21, v25;
	[tilespmem:s9+$0x0] =	vst v23;
	v23 =	vld [tilespmem:s31+$0x280]  }
0x14c: {  	[tilespmem:s2+$0x180] =	vst v16;
	v25 =	vld.idx.msk [tilespmem:v14+s15+$0x0], $0xffff;
	v16 =	vor.u32 $0x280, v26;
	v14 =	vor.u32 $0x300, v26;
	v26 =	vor.u32 $0x100, v4  }
0x14d: {  	s14 =	sor.u32 $0x380, s5;
	s5 =	simm.s32 $0x2;
	s11 =	sor.u32 $0x300, s10;
	v12 =	vld [tilespmem:s9+$0x180]  }
0x14e: {  	s1 =	simm.s32 $0x80;
	s7 =	simm.s32 $0x6;
	s19 =	sor.u32 $0x380, s10;
	[tilespmem:s17+$0x10000] =	vst v24;
	v24 =	vor.u32 $0x300, v1;
	v21 =	vld.idx.msk [tilespmem:v29+s15+$0x0], $0xffff;
	v27 =	vmul.f32 v30, v27  }
.LBB2_7:
0x14f: {  	s8 =	sand.u32 $0x60, s1;
	s6 =	sand.u32 $0xF80, s1;
	v28 =	vld [tilespmem:s9+$0x280];
	s10 =	sand.u32 $0x3, s5  }
0x150: {  	s6 =	sadd.s32 s6, s0;
	s17 =	sor.u32 $0x10, s8;
	[tilespmem:s3+$0x80] =	vst v27;
	v27 =	vld [tilespmem:s3+$0x100];
	s10 =	sshll.u32 s10, $0x5;
	v22 =	vmul.f32 v22, v23  }
0x151: {  	s7 =	sadd.s32 $0x2, s7;
	s16 =	sadd.s32 s17, s6;
	v23 =	vld.idx.msk [tilespmem:v26+s15+$0x0], $0xffff;
	s10 =	sadd.s32 s10, s12  }
0x152: {  	p1 =	slt.u32 s7, $0xFE;
	s18 =	sadd.s32 s8, s6;
	v19 =	vmul.f32 v25, v19;
	v26 =	vld [tilespmem:s16+$0x0];
	[tilespmem:s31+$0x280] =	vst v22;
	s16 =	sadd.s32 $0x10, s10  }
0x153: {  	v21 =	vmul.f32 v21, v3;
	s6 =	sor.u32 $0x300, s10;
	s10 =	sor.u32 $0x380, s10;
	s20 =	sor.u32 $0x300, s16;
	v22 =	vld.idx.msk [tilespmem:v24+s15+$0x0], $0xffff;
	v3 =	vmov v20  }
0x154: {  	s12 =	smov.u32 s13;
	s31 =	smov.u32 s3;
	[tilespmem:s9+$0x80] =	vst v19;
	v19 =	vld [tilespmem:s20+$0x10000]  }
0x155: {  	v24 =	vor.u32 $0x180, v4;
	v20 =	vld [tilespmem:s18+$0x0];
	[tilespmem:s2+$0x200] =	vst v21  }
0x156: {  	v18 =	vld.idx.msk [tilespmem:v18+s15+$0x0], $0xffff  }
0x157: {  	v25 =	vor.u32 $0x380, v1;
	v1 =	vmovc v4;
	v21 =	vmul.f32 v23, v27;
	v23 =	vld.idx.msk [tilespmem:v11+s15+$0x0], $0xffff;
	v11 =	vmov v16  }
0x158: {  	v27 =	vld.idx.msk [tilespmem:v10+s15+$0x0], $0xffff;
	v10 =	vmov v8;
	v8 =	vmov v14  }
0x159: {  	v4 =	vadd.s32 v0, v26;
	[tilespmem:s31+$0x100] =	vst v21;
	v14 =	vmul.f32 v22, v19;
	v19 =	vld [tilespmem:s11+$0x10000]  }
0x15a: {  	v16 =	vadd.s32 v0, v20;
	v20 =	vshll.u32 v4, $0x3;
	v21 =	vld.idx.msk [tilespmem:v24+s15+$0x0], $0xffff  }
0x15b: {  	v4 =	vand.u32 $0x7F, v4;
	v22 =	vshll.u32 v16, $0x3;
	v20 =	vand.u32 $0xFFFFFC00, v20;
	v24 =	vld [tilespmem:s31+$0x180];
	[tilespmem:s20+$0x10000] =	vst v14  }
0x15c: {  	s16 =	sor.u32 $0x380, s16;
	v14 =	vand.u32 $0x7F, v16;
	v16 =	vand.u32 $0xFFFFFC00, v22;
	v4 =	vor.u32 v4, v20;
	v20 =	vld.idx.msk [tilespmem:v25+s15+$0x0], $0xffff  }
0x15d: {  	v22 =	vor.u32 v14, v16;
	v14 =	vmul.f32 v18, v17;
	v17 =	vmul.f32 v23, v2;
	v23 =	vld [tilespmem:s16+$0x10000];
	v2 =	vmovc v28  }
0x15e: {  	s13 =	sadd.s32 $0x100, s13;
	v26 =	vor.u32 $0x200, v1;
	v25 =	vor.u32 $0x80, v22;
	v18 =	vor.u32 $0x100, v22;
	v28 =	vld.idx.msk [tilespmem:v7+s15+$0x0], $0xffff;
	v7 =	vmovc v5;
	v5 =	vmovc v6  }
0x15f: {  	s3 =	sand.u32 $0x7C00, s13;
	v29 =	vor.u32 $0x180, v22;
	v30 =	vor.u32 $0x200, v22;
	v16 =	vor.u32 $0x280, v22;
	v6 =	vmovc v9;
	[tilespmem:s9+$0x100] =	vst v14;
	v31 =	vld [tilespmem:s14+$0x10000]  }
0x160: {  	s3 =	sor.u32 $0x10000, s3;
	v14 =	vor.u32 $0x300, v22;
	v32 =	vld.idx.msk [tilespmem:v15+s15+$0x0], $0xffff;
	v21 =	vmul.f32 v21, v24;
	[tilespmem:s2+$0x280] =	vst v17;
	v17 =	vmul.f32 v27, v19;
	s2 =	smov.u32 s9  }
0x161: {  	v9 =	vor.u32 $0x380, v22;
	s9 =	sor.u32 s8, s3;
	s3 =	sor.u32 s17, s3;
	v15 =	vmov v29;
	v24 =	vld.idx.msk [tilespmem:v4+s15+$0x0], $0xffff  }
0x162: {  	v27 =	vld [tilespmem:s3+$0x0];
	[tilespmem:s31+$0x180] =	vst v21;
	v19 =	vmul.f32 v20, v23  }
0x163: {  	v20 =	vld.idx.msk [tilespmem:v26+s15+$0x0], $0xffff;
	[tilespmem:s11+$0x10000] =	vst v17;
	s11 =	smov.u32 s6  }
0x164: {  	v21 =	vld [tilespmem:s31+$0x200];
	[tilespmem:s16+$0x10000] =	vst v19;
	v17 =	vmul.f32 v28, v31  }
0x165: {  	v23 =	vor.u32 $0x80, v4;
	v22 =	vld.idx.msk [tilespmem:v22+s15+$0x0], $0xffff  }
0x166: {  	v12 =	vmul.f32 v32, v12;
	v26 =	vld [tilespmem:s9+$0x0];
	[tilespmem:s14+$0x10000] =	vst v17;
	s14 =	smov.u32 s19;
	s19 =	smov.u32 s10  }
0x167: {  	v19 =	vld [tilespmem:s9+$0x80];
	v24 =	vmul.f32 v24, v27;
	v27 =	vor.u32 $0x280, v1  }
0x168: {  	v17 =	vld [tilespmem:s9+$0x100];
	[tilespmem:s2+$0x180] =	vst v12  }
0x169: {  	v12 =	vld [tilespmem:s9+$0x180];
	[tilespmem:s3+$0x0] =	vst v24;
	v20 =	vmul.f32 v20, v21  }
0x16a: {  	v24 =	vld.idx.msk [tilespmem:v23+s15+$0x0], $0xffff  }
0x16b: {  	v21 =	vmul.f32 v22, v26;
	v28 =	vld [tilespmem:s3+$0x80];
	[tilespmem:s31+$0x200] =	vst v20  }
.Ltmp2:
0x16c: {  	v22 =	vld.idx.msk [tilespmem:v27+s15+$0x0], $0xffff;
	(pc) =	sbr.rel @p1 .LBB2_7-.Ltmp2, $4  }
0x16d: {  	[tilespmem:s9+$0x0] =	vst v21;
	v23 =	vld [tilespmem:s31+$0x280]  }
0x16e: {  	v26 =	vor.u32 $0x100, v4;
	v25 =	vld.idx.msk [tilespmem:v25+s15+$0x0], $0xffff  }
0x16f: {  	v21 =	vld.idx.msk [tilespmem:v13+s15+$0x0], $0xffff;
	v13 =	vmov v30  }
0x170: {  	s1 =	sadd.s32 $0x20, s1;
	s5 =	sadd.s32 $0x1, s5;
	v20 =	vld [tilespmem:s9+$0x200];
	v27 =	vmul.f32 v24, v28;
	v24 =	vor.u32 $0x300, v1  }
0x171: {  	_ =	sdelay $0x2  }
0x172: {  	v0 =	vld [tilespmem:s3+$0x100];
	[tilespmem:s3+$0x80] =	vst v27  }
0x173: {  	v26 =	vld.idx.msk [tilespmem:v26+s15+$0x0], $0xffff;
	_ =	sdelay $0x1  }
0x174: {  	v19 =	vmul.f32 v25, v19  }
0x175: {  	v34 =	vor.u32 $0x180, v4  }
0x176: {  	[tilespmem:s9+$0x80] =	vst v19  }
0x177: {  	v18 =	vld.idx.msk [tilespmem:v18+s15+$0x0], $0xffff;
	v0 =	vmul.f32 v26, v0;
	_ =	sdelay $0x1  }
0x178: {  	v36 =	vld [tilespmem:s3+$0x180];
	[tilespmem:s3+$0x100] =	vst v0  }
0x179: {  	v0 =	vld.idx.msk [tilespmem:v34+s15+$0x0], $0xffff;
	_ =	sdelay $0x1  }
0x17a: {  	v17 =	vmul.f32 v18, v17  }
0x17b: {  	v37 =	vor.u32 $0x200, v4  }
0x17c: {  	[tilespmem:s9+$0x100] =	vst v17  }
0x17d: {  	v15 =	vld.idx.msk [tilespmem:v15+s15+$0x0], $0xffff;
	v0 =	vmul.f32 v0, v36;
	_ =	sdelay $0x1  }
0x17e: {  	v38 =	vld [tilespmem:s3+$0x200];
	[tilespmem:s3+$0x180] =	vst v0  }
0x17f: {  	v0 =	vld.idx.msk [tilespmem:v37+s15+$0x0], $0xffff;
	_ =	sdelay $0x1  }
0x180: {  	v12 =	vmul.f32 v15, v12  }
0x181: {  	v40 =	vor.u32 $0x280, v4  }
0x182: {  	v35 =	vld [tilespmem:s9+$0x280];
	[tilespmem:s9+$0x180] =	vst v12  }
0x183: {  	v43 =	vld.idx.msk [tilespmem:v13+s15+$0x0], $0xffff;
	v0 =	vmul.f32 v0, v38  }
0x184: {  	v45 =	vld [tilespmem:s3+$0x280]  }
0x185: {  	v10 =	vld.idx.msk [tilespmem:v10+s15+$0x0], $0xffff;
	[tilespmem:s3+$0x200] =	vst v0  }
0x186: {  	v3 =	vmul.f32 v21, v3;
	v44 =	vld.idx.msk [tilespmem:v40+s15+$0x0], $0xffff  }
0x187: {  	v47 =	vld [tilespmem:s11+$0x10000]  }
0x188: {  	s0 =	sand.u32 $0x3, s5;
	v7 =	vld.idx.msk [tilespmem:v7+s15+$0x0], $0xffff;
	[tilespmem:s2+$0x200] =	vst v3;
	v0 =	vmul.f32 v43, v20  }
0x189: {  	v46 =	vor.u32 $0x300, v4;
	s10 =	sadd.s32 $0x1, s5;
	s0 =	sshll.u32 s0, $0x5;
	v39 =	vmul.f32 v22, v23;
	v3 =	vld.idx.msk [tilespmem:v11+s15+$0x0], $0xffff  }
0x18a: {  	v56 =	vld [tilespmem:s14+$0x10000];
	s5 =	sand.u32 $0x3, s10;
	s0 =	sadd.s32 s0, s12;
	[tilespmem:s9+$0x200] =	vst v0  }
0x18b: {  	s5 =	sshll.u32 s5, $0x5;
	[tilespmem:s31+$0x280] =	vst v39;
	s1 =	sadd.s32 $0x10, s0;
	v0 =	vld.idx.msk [tilespmem:v16+s15+$0x0], $0xffff;
	v12 =	vmul.f32 v44, v45  }
0x18c: {  	s5 =	sadd.s32 s5, s13;
	s6 =	sor.u32 $0x300, s1;
	v41 =	vld.idx.msk [tilespmem:v24+s15+$0x0], $0xffff  }
0x18d: {  	s12 =	sadd.s32 $0x10, s5;
	v42 =	vld [tilespmem:s6+$0x10000];
	v10 =	vmul.f32 v10, v47;
	[tilespmem:s3+$0x280] =	vst v12  }
0x18e: {  	s13 =	sor.u32 $0x300, s12;
	v2 =	vmul.f32 v3, v2;
	v11 =	vld.idx.msk [tilespmem:v46+s15+$0x0], $0xffff  }
0x18f: {  	[tilespmem:s11+$0x10000] =	vst v10;
	v48 =	vld [tilespmem:s13+$0x10000]  }
0x190: {  	v1 =	vor.u32 $0x380, v1;
	v5 =	vld.idx.msk [tilespmem:v5+s15+$0x0], $0xffff;
	[tilespmem:s2+$0x280] =	vst v2;
	v0 =	vmul.f32 v0, v35  }
0x191: {  	s16 =	sor.u32 $0x300, s0;
	v51 =	vld.idx.msk [tilespmem:v8+s15+$0x0], $0xffff  }
0x192: {  	v50 =	vor.u32 $0x380, v4;
	v52 =	vld [tilespmem:s16+$0x10000];
	v15 =	vmul.f32 v41, v42;
	[tilespmem:s9+$0x280] =	vst v0  }
0x193: {  	s7 =	sor.u32 $0x300, s5;
	v54 =	vld.idx.msk [tilespmem:v14+s15+$0x0], $0xffff  }
0x194: {  	[tilespmem:s6+$0x10000] =	vst v15;
	v55 =	vld [tilespmem:s7+$0x10000];
	v53 =	vmul.f32 v11, v48  }
0x195: {  	s1 =	sor.u32 $0x380, s1;
	v1 =	vld.idx.msk [tilespmem:v1+s15+$0x0], $0xffff  }
0x196: {  	v49 =	vld [tilespmem:s1+$0x10000];
	[tilespmem:s13+$0x10000] =	vst v53  }
0x197: {  	v4 =	vmul.f32 v51, v52;
	s3 =	sor.u32 $0x380, s12;
	v0 =	vld.idx.msk [tilespmem:v50+s15+$0x0], $0xffff  }
0x198: {  	v57 =	vld [tilespmem:s3+$0x10000]  }
0x199: {  	v58 =	vld [tilespmem:s19+$0x10000];
	[tilespmem:s16+$0x10000] =	vst v4;
	v3 =	vmul.f32 v54, v55  }
0x19a: {  	s0 =	sor.u32 $0x380, s0;
	v4 =	vld.idx.msk [tilespmem:v6+s15+$0x0], $0xffff  }
0x19b: {  	v7 =	vmul.f32 v7, v56;
	v59 =	vld [tilespmem:s0+$0x10000];
	[tilespmem:s7+$0x10000] =	vst v3  }
0x19c: {  	s17 =	sor.u32 $0x380, s5;
	v1 =	vmul.f32 v1, v49;
	v3 =	vld.idx.msk [tilespmem:v9+s15+$0x0], $0xffff  }
0x19d: {  	[tilespmem:s14+$0x10000] =	vst v7;
	v60 =	vld [tilespmem:s17+$0x10000];
	v0 =	vmul.f32 v0, v57  }
0x19e: {  	[tilespmem:s1+$0x10000] =	vst v1  }
0x19f: {  	[tilespmem:s3+$0x10000] =	vst v0  }
0x1a0: {  	v61 =	vmul.f32 v5, v58;
	s3 =	rddreg [dreg:$0xe]  }
0x1a1: {  	s18 =	sshll.u32 s24, $0x10;
	v62 =	vmul.f32 v4, v59;
	s3 =	sshll.u32 s3, $0xF  }
0x1a2: {  	[tilespmem:s19+$0x10000] =	vst v61;
	v63 =	vmul.f32 v3, v60;
	s1 =	sadd.s32 s18, s3  }
0x1a3: {  	s24 =	rddreg [dreg:$0x2];
	s2 =	smul.u32 @!p0 $0x7D00, s28;
	[tilespmem:s0+$0x10000] =	vst v62;
	s20 =	sshrl.u32 s1, $0x3  }
0x1a4: {  	s29 =	simm.s32 $0x10000;
	[tilespmem:s17+$0x10000] =	vst v63;
	s1 =	smul.u32 @!p0 $0x196800, s25;
	s0 =	sadd.s32 s24, s20  }
0x1a5: {  	[hbm4b:s0+s4] =	stream.linear.scatter [tilespmem:s29], [sflag:$0x4], $0x8000, $0x38;
	[tilespmem:$0x1C000] =	vst v63  }
0x1a6: {  	s0 =	sadd.s32 @!p0 s30, s1;
	s1 =	sand.u32 @!p0 $0xFFFFFC00, s2  }
0x1a7: {  	s0 =	sadd.s32 @!p0 s1, s0  }
0x1a8: {  	s0 =	sshrl.u32 @!p0 s0, $0x3  }
0x1a9: {  	s2 =	simm.s32 @!p0 $0x8000;
	s1 =	simm.s32 @!p0 $0x0;
	s0 =	sadd.s32 @!p0 s21, s0  }
0x1aa: {  	[tilespmem:s2], [sflag:$0x2] =	stream.linear.gather @!p0 [hbm4b:s0+s1], $0x8000, $0x38;
	[tilespmem:$0x1C000] =	vst v63  }
0x1ab: {  	p0 =	sne.s32 s22, s23  }
.Ltmp3:
0x1ac: {  	_ = 	snop;
	(pc) =	sbr.rel @p0 .LBB2_4-.Ltmp3, $2  }
0x1ad: {  	_ =	sdelay $0x2  }
0x1ae: {  	s31 =	smov.u32 s28;
	s24 =	rddreg [dreg:$0xf]  }
0x1af: {  	s1 =	simm.s32 $0x4  }
0x1b0: {  	_ =	swait.ge [sflag:s1], $0x8000  }
0x1b1: {  	s2 =	rddreg [dreg:$0xd]  }
0x1b2: {  	s0 =	rddreg [dreg:$0xc];
	s2 =	sadd.s32 $0x1, s2  }
0x1b3: {  	p0 =	sne.s32 s2, s0  }
.Ltmp4:
0x1b4: {  	_ = 	snop;
	(pc) =	sbr.rel @p0 .LBB2_1-.Ltmp4, $3  }
0x1b5: {  	_ =	sdelay $0x1  }
0x1b6: {  	[sflag:s1] =	ssyncset.done $0x0  }
0x1b7: {  	s24 =	rddreg [dreg:$0x6];
	[sflag:s1] =	ssyncadd.s32 $0xFFFF8000  }
0x1b8: {  	_ =	sfence.sel $0x180000  }
0x1b9: {  	[bflag:$0x0] =	sbarrier.arrive $0xFFFF  }
0x1ba: {  	_ =	strace $0x90000047  }
0x1bb: {  	s0 =	stileid.u32;
	[bflag:$0x2] =	sbarrier.arrive $0xFFFF  }
0x1bc: {  	p0 =	sne.s32 s0, $0x0;
	s0 =	rddreg [dreg:$0x3]  }
0x1bd: {  	s0 =	sadd.s32 @!p0 $0x100000, s0  }
0x1be: {  	[sflag:s0] =	ssyncadd.tile.s32 @!p0 $0x1;
	_ =	shalt  }
.Lfunc_end2:
_tile_overlayer_lowered:
.L_overlay_start_2:
0x1bf: {  	(tag) =	ssettag $0x2  }
0x1c0: {  	s0 =	rddreg [dreg:$0x0];
	s2 =	stileid.u32  }
0x1c1: {  	s1 =	rddreg [dreg:$0x1];
	p0 =	sne.s32 s2, $0x0  }
0x1c2: {  	s3 =	rddreg [dreg:$0x2];
	[bflag:$0x3] =	sbarrier.arrive $0xFFFF;
	s2 =	simm.s32 @!p0 $0x1C05  }
0x1c3: {  	[timem:s3], [sflag:s2] =	dma.local @!p0 [hbm:s0], s1  }
0x1c4: {  	s0 =	simm.s32 @!p0 $0x5  }
0x1c5: {  	_ =	swait.ge @!p0 [sflag:s0], s1  }
0x1c6: {  	s1 =	ssub.s32 @!p0 $0x0, s1;
	[sflag:s0] =	ssyncset.done @!p0 $0x0  }
0x1c7: {  	[sflag:s0] =	ssyncadd.s32 @!p0 s1  }
0x1c8: {  	[bflag:$0x3] =	sbarrier.arrive $0xFFFF  }
0x1c9: {  	_ =	shalt  }

</sc_bundles>
